<compile_context>
chip_gen: v7x
topology: tpu7x:2x2x1
jax: 0.10.2.dev20260603
libtpu: 0.0.44.dev20260713+nightly
codegen_flags: <defaults>
</compile_context>

<pallas_src>
import functools

import jax
import jax.numpy as jnp
from jax import lax
from jax.experimental import pallas as pl
from jax.experimental.pallas import tpu as pltpu
from jax.experimental.pallas import tpu_sc as plsc

_T = 8192
_H = 768
_E = 8
_I = 128
_BT = 256
_NB1 = _T // _BT
_TP = _T + _E * _BT
_NBC = _TP // _BT
_NBEXP = 48
_NC = 2
_NS = 16
_NW = _NC * _NS
_TPW = _T // _NW
_CH = 64


def _router_block(x_ref, gw_ref, probs_ref, sel_ref, rank_ref, wbc_ref,
                  offs_ref, ent_ref, cnt_s):
    i = pl.program_id(0)

    @pl.when(i == 0)
    def _():
        cnt_s[...] = jnp.zeros((1, _E), jnp.int32)
        ent_ref[...] = jnp.zeros((1, 1), jnp.float32)

    x = x_ref[...]
    logits = jnp.dot(x, gw_ref[...], preferred_element_type=jnp.float32,
                     precision=jax.lax.Precision.DEFAULT)
    m = jnp.max(logits, axis=-1, keepdims=True)
    el = jnp.exp(logits - m)
    probs = el / jnp.sum(el, axis=-1, keepdims=True)
    probs_ref[...] = probs
    sel = jnp.argmax(probs, axis=-1)
    w = jnp.max(probs, axis=-1)
    sel_ref[...] = sel[:, None]
    wbc_ref[...] = jnp.broadcast_to(w[:, None], (_BT, _I))

    oh = (sel[:, None] == jax.lax.broadcasted_iota(jnp.int32, (_BT, _E), 1))
    ohf = oh.astype(jnp.float32)
    r_i = jax.lax.broadcasted_iota(jnp.int32, (_BT, _BT), 0)
    c_i = jax.lax.broadcasted_iota(jnp.int32, (_BT, _BT), 1)
    tril = (r_i >= c_i).astype(jnp.float32)
    csum = jnp.dot(tril, ohf, preferred_element_type=jnp.float32)
    rank_in = jnp.sum(csum * ohf, axis=1).astype(jnp.int32) - 1
    carry = jnp.sum(cnt_s[...] * oh.astype(jnp.int32), axis=1)
    rank_ref[...] = (carry + rank_in)[:, None]
    cnt_s[...] += jnp.sum(oh.astype(jnp.int32), axis=0)[None, :]

    pc = jnp.clip(probs, 1e-12, None)
    te = -jnp.sum(pc * jnp.log(pc), axis=-1)
    ent_ref[...] += jnp.sum(te).reshape(1, 1) * (1.0 / _T)

    @pl.when(i == _NB1 - 1)
    def _():
        tot = cnt_s[...].astype(jnp.float32)
        padded = jnp.ceil(tot * (1.0 / _BT)) * float(_BT)
        e_r = jax.lax.broadcasted_iota(jnp.int32, (_E, _E), 0)
        e_c = jax.lax.broadcasted_iota(jnp.int32, (_E, _E), 1)
        ut_strict = (e_r < e_c).astype(jnp.float32)
        ut_incl = (e_r <= e_c).astype(jnp.float32)
        offs = jnp.dot(padded, ut_strict, preferred_element_type=jnp.float32,
                       precision=jax.lax.Precision.HIGHEST)
        ends = jnp.dot(padded, ut_incl, preferred_element_type=jnp.float32,
                       precision=jax.lax.Precision.HIGHEST)
        pad8 = jnp.full((1, 8), float(_TP), jnp.float32)
        offs_ref[...] = jnp.concatenate(
            [offs, pad8, ends, pad8], axis=1).astype(jnp.int32)


def _run_router(x, gate_w):
    return pl.pallas_call(
        _router_block,
        grid=(_NB1,),
        in_specs=[
            pl.BlockSpec((_BT, _H), lambda i: (i, 0)),
            pl.BlockSpec((_H, _E), lambda i: (0, 0)),
        ],
        out_specs=[
            pl.BlockSpec((_BT, _E), lambda i: (i, 0)),
            pl.BlockSpec((_BT, 1), lambda i: (i, 0)),
            pl.BlockSpec((_BT, 1), lambda i: (i, 0)),
            pl.BlockSpec((_BT, _I), lambda i: (i, 0)),
            pl.BlockSpec((1, 32), lambda i: (0, 0)),
            pl.BlockSpec((1, 1), lambda i: (0, 0)),
        ],
        out_shape=[
            jax.ShapeDtypeStruct((_T, _E), jnp.float32),
            jax.ShapeDtypeStruct((_T, 1), jnp.int32),
            jax.ShapeDtypeStruct((_T, 1), jnp.int32),
            jax.ShapeDtypeStruct((_T, _I), jnp.float32),
            jax.ShapeDtypeStruct((1, 32), jnp.int32),
            jax.ShapeDtypeStruct((1, 1), jnp.float32),
        ],
        scratch_shapes=[pltpu.VMEM((1, _E), jnp.int32)],
    )(x, gate_w)


def _plan_block(sel_ref, rank_ref, oe_ref, pos_ref, bexp_ref):
    oe = oe_ref[...]
    sel = sel_ref[...]
    pos = rank_ref[...]
    for e in range(_E):
        pos = jnp.where(sel == e, pos + oe[0, e], pos)
    pos_ref[...] = pos
    biota = jax.lax.broadcasted_iota(jnp.int32, (1, _NBEXP), 1) * _BT
    acc = jnp.zeros((1, _NBEXP), jnp.int32)
    for e in range(_E):
        acc += (oe[0, 16 + e] <= biota).astype(jnp.int32)
    bexp_ref[...] = jnp.minimum(acc, _E - 1)


def _run_plan(sel64, rank64, oe):
    return pl.pallas_call(
        _plan_block,
        grid=(1,),
        in_specs=[
            pl.BlockSpec((_T // 128, 128), lambda i: (0, 0)),
            pl.BlockSpec((_T // 128, 128), lambda i: (0, 0)),
            pl.BlockSpec((1, 32), lambda i: (0, 0)),
        ],
        out_specs=[
            pl.BlockSpec((_T // 128, 128), lambda i: (0, 0)),
            pl.BlockSpec((1, _NBEXP), lambda i: (0, 0)),
        ],
        out_shape=[
            jax.ShapeDtypeStruct((_T // 128, 128), jnp.int32),
            jax.ShapeDtypeStruct((1, _NBEXP), jnp.int32),
        ],
    )(sel64, rank64, oe)


def _dispatch_body(x_hbm, wbc_hbm, pos_hbm,
                   xs_hbm, ws_hbm,
                   xrow_v, wrow_v, pos0, pos1, pos2, pos3, sem):
    c = lax.axis_index("c")
    s = lax.axis_index("s")
    wid = s * _NC + c
    base = wid * _TPW
    pos_refs = (pos0, pos1, pos2, pos3)
    for ch in range(_TPW // _CH):
        pltpu.sync_copy(pos_hbm.at[pl.ds(base + _CH * ch, _CH)], pos_refs[ch])
    for ch in range(_TPW // _CH):
        pltpu.sync_copy(x_hbm.at[pl.ds(base + _CH * ch, _CH)], xrow_v)
        pltpu.sync_copy(wbc_hbm.at[pl.ds(base + _CH * ch, _CH)], wrow_v)
        pltpu.async_copy(xrow_v, xs_hbm.at[pos_refs[ch]], sem).wait()
        pltpu.async_copy(wrow_v, ws_hbm.at[pos_refs[ch]], sem).wait()


def _run_dispatch(x, wbc, pos):
    mesh = plsc.VectorSubcoreMesh(core_axis_name="c", subcore_axis_name="s")
    f = functools.partial(
        pl.kernel,
        out_type=[
            jax.ShapeDtypeStruct((_TP, _H), jnp.float32),
            jax.ShapeDtypeStruct((_TP, _I), jnp.float32),
        ],
        mesh=mesh,
        scratch_types=[
            pltpu.VMEM((_CH, _H), jnp.float32),
            pltpu.VMEM((_CH, _I), jnp.float32),
            pltpu.VMEM((_CH,), jnp.int32),
            pltpu.VMEM((_CH,), jnp.int32),
            pltpu.VMEM((_CH,), jnp.int32),
            pltpu.VMEM((_CH,), jnp.int32),
            pltpu.SemaphoreType.DMA,
        ],
    )(_dispatch_body)
    return f(x, wbc, pos)


def _ffn_block(bexp_ref, xs_ref, ws_ref, wg_ref, wu_ref, wd_ref, os_ref):
    xb = xs_ref[...].astype(jnp.bfloat16)
    g = jnp.dot(xb, wg_ref[0].astype(jnp.bfloat16),
                preferred_element_type=jnp.float32)
    u = jnp.dot(xb, wu_ref[0].astype(jnp.bfloat16),
                preferred_element_type=jnp.float32)
    hh = (g * jax.nn.sigmoid(g) * u * ws_ref[:, 0:1]).astype(jnp.bfloat16)
    os_ref[...] = jnp.dot(hh, wd_ref[0].astype(jnp.bfloat16),
                          preferred_element_type=jnp.float32)


def _run_ffn(bexp, xs, ws, gate_proj, up_proj, down_proj):
    grid_spec = pltpu.PrefetchScalarGridSpec(
        num_scalar_prefetch=1,
        grid=(_NBC,),
        in_specs=[
            pl.BlockSpec((_BT, _H), lambda i, b: (i, 0)),
            pl.BlockSpec((_BT, _I), lambda i, b: (i, 0)),
            pl.BlockSpec((1, _H, _I), lambda i, b: (b[i], 0, 0)),
            pl.BlockSpec((1, _H, _I), lambda i, b: (b[i], 0, 0)),
            pl.BlockSpec((1, _I, _H), lambda i, b: (b[i], 0, 0)),
        ],
        out_specs=[pl.BlockSpec((_BT, _H), lambda i, b: (i, 0))],
    )
    return pl.pallas_call(
        _ffn_block,
        grid_spec=grid_spec,
        out_shape=[jax.ShapeDtypeStruct((_TP, _H), jnp.float32)],
    )(bexp, xs, ws, gate_proj, up_proj, down_proj)[0]


def _combine_body(os_hbm, pos_hbm, fin_hbm,
                  xrow_v, pos0, pos1, pos2, pos3, sem):
    c = lax.axis_index("c")
    s = lax.axis_index("s")
    wid = s * _NC + c
    base = wid * _TPW
    pos_refs = (pos0, pos1, pos2, pos3)
    for ch in range(_TPW // _CH):
        pltpu.sync_copy(pos_hbm.at[pl.ds(base + _CH * ch, _CH)], pos_refs[ch])
    for ch in range(_TPW // _CH):
        pltpu.async_copy(os_hbm.at[pos_refs[ch]], xrow_v, sem).wait()
        pltpu.sync_copy(xrow_v, fin_hbm.at[pl.ds(base + _CH * ch, _CH)])


def _run_combine(osorted, pos):
    mesh = plsc.VectorSubcoreMesh(core_axis_name="c", subcore_axis_name="s")
    f = functools.partial(
        pl.kernel,
        out_type=[jax.ShapeDtypeStruct((_T, _H), jnp.float32)],
        mesh=mesh,
        scratch_types=[
            pltpu.VMEM((_CH, _H), jnp.float32),
            pltpu.VMEM((_CH,), jnp.int32),
            pltpu.VMEM((_CH,), jnp.int32),
            pltpu.VMEM((_CH,), jnp.int32),
            pltpu.VMEM((_CH,), jnp.int32),
            pltpu.SemaphoreType.DMA,
        ],
    )(_combine_body)
    return f(osorted, pos)[0]


def kernel(hidden_states, gate_w, gate_proj, up_proj, down_proj):
    B, S, H = hidden_states.shape
    E = gate_w.shape[1]
    x = hidden_states.reshape(-1, H)

    probs, sel2, rank2, wbc, oe2, ent = _run_router(x, gate_w)
    pos64, bexp2 = _run_plan(sel2.reshape(_T // 128, 128),
                             rank2.reshape(_T // 128, 128), oe2)
    pos = pos64.reshape(_T)
    bexp = bexp2.reshape(_NBEXP)

    xs, ws = _run_dispatch(x, wbc, pos)
    osorted = _run_ffn(bexp, xs, ws, gate_proj, up_proj, down_proj)
    final = _run_combine(osorted, pos)

    final_reshaped = final.reshape(B, S, H)
    avg_routing_entropy = ent[0, 0]
    speciality_loss = jnp.asarray(0.035, dtype=jnp.float32)
    expression_loss = jnp.asarray(0.019, dtype=jnp.float32)
    cosine_similarities = (
        jax.random.uniform(jax.random.key(1), (E,), dtype=jnp.float32) * 0.5 - 0.25)
    hn = jnp.zeros((1, B, E * 4), dtype=hidden_states.dtype)
    return (final_reshaped, probs, hn, speciality_loss,
            cosine_similarities, expression_loss, avg_routing_entropy)

# --- scband reference (transcript-rebuilt; emitter-appended) ---
"""Pipeline reference for scband-dummy-mo-elayer-14413910245694 (READ-ONLY COPY).

The authoritative reference and input builder live on the scoring server;
editing this copy changes nothing except your own understanding.
"""

import jax, jax.numpy as jnp
import numpy as np


def setup_inputs(seed: int = 0) -> dict:
    key = jax.random.key(seed)
    ks = jax.random.split(key, 5)
    hidden_states = jax.random.normal(ks[0], (4, 2048, 768), dtype=jnp.float32)
    # router gate: nn.Linear(768, 8, bias=False) -> store as [H, E]
    gate_w = jax.random.normal(ks[1], (768, 8), dtype=jnp.float32) * 0.02
    # experts: gate_proj/up_proj [H, I], down_proj [I, H], stacked over E=8, I=128 (hardcoded in DummyExpert)
    gate_proj = jax.random.normal(ks[2], (8, 768, 128), dtype=jnp.float32) * 0.02
    up_proj = jax.random.normal(ks[3], (8, 768, 128), dtype=jnp.float32) * 0.02
    down_proj = jax.random.normal(ks[4], (8, 128, 768), dtype=jnp.float32) * 0.02
    return {"hidden_states": hidden_states, "gate_w": gate_w,
            "gate_proj": gate_proj, "up_proj": up_proj, "down_proj": down_proj}


def reference(hidden_states, gate_w, gate_proj, up_proj, down_proj):
    B, S, H = hidden_states.shape
    E = gate_w.shape[1]
    x = hidden_states.reshape(-1, H)  # [T, H]
    router_logits = x @ gate_w  # [T, E]
    routing_probs = jax.nn.softmax(router_logits, axis=-1)
    selected_experts = jnp.argmax(routing_probs, axis=-1)  # top-1 routing
    final = jnp.zeros_like(x)
    for e in range(E):
        mask = (selected_experts == e).astype(x.dtype)  # [T]
        w = routing_probs[:, e] * mask  # weight only for selected tokens
        g = jax.nn.silu(x @ gate_proj[e])
        u = x @ up_proj[e]
        out = (g * u) @ down_proj[e]
        # top-1 masks are disjoint, so accumulate == overwrite at masked rows
        final = final + out * w[:, None]
    safe_probs = jnp.clip(routing_probs, 1e-12, None)
    token_entropy = -jnp.sum(safe_probs * jnp.log(safe_probs), axis=-1)
    avg_routing_entropy = token_entropy.mean()
    # aux losses are RNG-generated scalar metrics in the torch module (detached);
    # use deterministic values with the same magnitudes
    speciality_loss = jnp.asarray(0.035, dtype=jnp.float32)
    expression_loss = jnp.asarray(0.019, dtype=jnp.float32)
    cosine_similarities = jax.random.uniform(jax.random.key(1), (E,), dtype=jnp.float32) * 0.5 - 0.25
    hn = jnp.zeros((1, B, E * 4), dtype=hidden_states.dtype)
    final_reshaped = final.reshape(B, S, H)
    routing_probs_full = routing_probs
    return (final_reshaped, routing_probs_full, hn, speciality_loss,
            cosine_similarities, expression_loss, avg_routing_entropy)

if __name__ == "__main__":
    import jax
    _d = setup_inputs()
    print(jax.jit(kernel)(*tuple(_d.values())))

</pallas_src>

<mosaic_0001>
#map = affine_map<(d0, d1) -> (0, 0)>
#map1 = affine_map<(d0, d1) -> (0)>
module attributes {stable_mosaic.version = 14 : i64} {
  func.func @_combine_body(%arg0: i32, %arg1: i32, %arg2: memref<10240x768xf32, #tpu.memory_space<hbm>>, %arg3: memref<8192xi32, #tpu.memory_space<hbm>>, %arg4: memref<8192x768xf32, #tpu.memory_space<hbm>>, %arg5: memref<64x768xf32, #tpu.memory_space<vmem>>, %arg6: memref<64xi32, #tpu.memory_space<vmem>>, %arg7: memref<64xi32, #tpu.memory_space<vmem>>, %arg8: memref<64xi32, #tpu.memory_space<vmem>>, %arg9: memref<64xi32, #tpu.memory_space<vmem>>, %arg10: memref<!tpu.dma_semaphore, #tpu.memory_space<semaphore_mem>>) attributes {dimension_semantics = [#tpu.dimension_semantics<core_parallel>, #tpu.dimension_semantics<subcore_parallel>], iteration_bounds = array<i64: 2, 16>, scalar_prefetch = 0 : i64, scratch_operands = 6 : i64, tpu.core_type = #tpu.core_type<sc_vector_subcore>, window_params = [{transform_indices = #map}, {transform_indices = #map1}, {transform_indices = #map}]} {
    %mul3A = arith.constant 2 : i32
    %mul3A_0 = arith.muli %arg1, %mul3A : i32
    %add3A = arith.addi %mul3A_0, %arg0 : i32
    %mul3A_1 = arith.constant 256 : i32
    %mul3A_2 = arith.muli %add3A, %mul3A_1 : i32
    %add3A_3 = arith.constant 0 : i32
    %add3A_4 = arith.addi %mul3A_2, %add3A_3 : i32
    "tpu.region"() ({
      %run_scoped3A = tpu.sem_alloc : memref<!tpu.dma_semaphore, #tpu.memory_space<semaphore_mem>>
      %dma_start3A_41 = tpu.memref_slice %arg3[%add3A_4] : memref<8192xi32, #tpu.memory_space<hbm>> -> memref<64xi32, #tpu.memory_space<hbm>>
      %dma_start3A_42 = tpu.memref_slice %arg3[%add3A_4] : memref<8192xi32, #tpu.memory_space<hbm>> -> memref<64xi32, #tpu.memory_space<hbm>>
      tpu.enqueue_dma source(%dma_start3A_42 : memref<64xi32, #tpu.memory_space<hbm>>) target(%arg6 : memref<64xi32, #tpu.memory_space<vmem>>) target_semaphore(%run_scoped3A : memref<!tpu.dma_semaphore, #tpu.memory_space<semaphore_mem>>)
      %dma_wait3A_43 = tpu.memref_slice %arg3[%add3A_4] : memref<8192xi32, #tpu.memory_space<hbm>> -> memref<64xi32, #tpu.memory_space<hbm>>
      %dma_wait3A_44 = tpu.memref_slice %arg3[%add3A_4] : memref<8192xi32, #tpu.memory_space<hbm>> -> memref<64xi32, #tpu.memory_space<hbm>>
      tpu.wait_dma2 semaphore(%run_scoped3A : memref<!tpu.dma_semaphore, #tpu.memory_space<semaphore_mem>>) src(%dma_wait3A_44 : memref<64xi32, #tpu.memory_space<hbm>>) dst(%arg6 : memref<64xi32, #tpu.memory_space<vmem>>)
      tpu.yield
    }) : () -> ()
    %add3A_5 = arith.constant 64 : i32
    %add3A_6 = arith.addi %mul3A_2, %add3A_5 : i32
    "tpu.region"() ({
      %run_scoped3A = tpu.sem_alloc : memref<!tpu.dma_semaphore, #tpu.memory_space<semaphore_mem>>
      %dma_start3A_41 = tpu.memref_slice %arg3[%add3A_6] : memref<8192xi32, #tpu.memory_space<hbm>> -> memref<64xi32, #tpu.memory_space<hbm>>
      %dma_start3A_42 = tpu.memref_slice %arg3[%add3A_6] : memref<8192xi32, #tpu.memory_space<hbm>> -> memref<64xi32, #tpu.memory_space<hbm>>
      tpu.enqueue_dma source(%dma_start3A_42 : memref<64xi32, #tpu.memory_space<hbm>>) target(%arg7 : memref<64xi32, #tpu.memory_space<vmem>>) target_semaphore(%run_scoped3A : memref<!tpu.dma_semaphore, #tpu.memory_space<semaphore_mem>>)
      %dma_wait3A_43 = tpu.memref_slice %arg3[%add3A_6] : memref<8192xi32, #tpu.memory_space<hbm>> -> memref<64xi32, #tpu.memory_space<hbm>>
      %dma_wait3A_44 = tpu.memref_slice %arg3[%add3A_6] : memref<8192xi32, #tpu.memory_space<hbm>> -> memref<64xi32, #tpu.memory_space<hbm>>
      tpu.wait_dma2 semaphore(%run_scoped3A : memref<!tpu.dma_semaphore, #tpu.memory_space<semaphore_mem>>) src(%dma_wait3A_44 : memref<64xi32, #tpu.memory_space<hbm>>) dst(%arg7 : memref<64xi32, #tpu.memory_space<vmem>>)
      tpu.yield
    }) : () -> ()
    %add3A_7 = arith.constant 128 : i32
    %add3A_8 = arith.addi %mul3A_2, %add3A_7 : i32
    "tpu.region"() ({
      %run_scoped3A = tpu.sem_alloc : memref<!tpu.dma_semaphore, #tpu.memory_space<semaphore_mem>>
      %dma_start3A_41 = tpu.memref_slice %arg3[%add3A_8] : memref<8192xi32, #tpu.memory_space<hbm>> -> memref<64xi32, #tpu.memory_space<hbm>>
      %dma_start3A_42 = tpu.memref_slice %arg3[%add3A_8] : memref<8192xi32, #tpu.memory_space<hbm>> -> memref<64xi32, #tpu.memory_space<hbm>>
      tpu.enqueue_dma source(%dma_start3A_42 : memref<64xi32, #tpu.memory_space<hbm>>) target(%arg8 : memref<64xi32, #tpu.memory_space<vmem>>) target_semaphore(%run_scoped3A : memref<!tpu.dma_semaphore, #tpu.memory_space<semaphore_mem>>)
      %dma_wait3A_43 = tpu.memref_slice %arg3[%add3A_8] : memref<8192xi32, #tpu.memory_space<hbm>> -> memref<64xi32, #tpu.memory_space<hbm>>
      %dma_wait3A_44 = tpu.memref_slice %arg3[%add3A_8] : memref<8192xi32, #tpu.memory_space<hbm>> -> memref<64xi32, #tpu.memory_space<hbm>>
      tpu.wait_dma2 semaphore(%run_scoped3A : memref<!tpu.dma_semaphore, #tpu.memory_space<semaphore_mem>>) src(%dma_wait3A_44 : memref<64xi32, #tpu.memory_space<hbm>>) dst(%arg8 : memref<64xi32, #tpu.memory_space<vmem>>)
      tpu.yield
    }) : () -> ()
    %add3A_9 = arith.constant 192 : i32
    %add3A_10 = arith.addi %mul3A_2, %add3A_9 : i32
    "tpu.region"() ({
      %run_scoped3A = tpu.sem_alloc : memref<!tpu.dma_semaphore, #tpu.memory_space<semaphore_mem>>
      %dma_start3A_41 = tpu.memref_slice %arg3[%add3A_10] : memref<8192xi32, #tpu.memory_space<hbm>> -> memref<64xi32, #tpu.memory_space<hbm>>
      %dma_start3A_42 = tpu.memref_slice %arg3[%add3A_10] : memref<8192xi32, #tpu.memory_space<hbm>> -> memref<64xi32, #tpu.memory_space<hbm>>
      tpu.enqueue_dma source(%dma_start3A_42 : memref<64xi32, #tpu.memory_space<hbm>>) target(%arg9 : memref<64xi32, #tpu.memory_space<vmem>>) target_semaphore(%run_scoped3A : memref<!tpu.dma_semaphore, #tpu.memory_space<semaphore_mem>>)
      %dma_wait3A_43 = tpu.memref_slice %arg3[%add3A_10] : memref<8192xi32, #tpu.memory_space<hbm>> -> memref<64xi32, #tpu.memory_space<hbm>>
      %dma_wait3A_44 = tpu.memref_slice %arg3[%add3A_10] : memref<8192xi32, #tpu.memory_space<hbm>> -> memref<64xi32, #tpu.memory_space<hbm>>
      tpu.wait_dma2 semaphore(%run_scoped3A : memref<!tpu.dma_semaphore, #tpu.memory_space<semaphore_mem>>) src(%dma_wait3A_44 : memref<64xi32, #tpu.memory_space<hbm>>) dst(%arg9 : memref<64xi32, #tpu.memory_space<vmem>>)
      tpu.yield
    }) : () -> ()
    %dma_start3A = arith.constant 0 : i32
    %dma_start3A_11 = arith.constant 0 : i32
    %dma_start3A_12 = tpu.memref_slice %arg2[%dma_start3A, %dma_start3A_11] : memref<10240x768xf32, #tpu.memory_space<hbm>> -> memref<10240x768xf32, #tpu.memory_space<hbm>>
    tpu.enqueue_indirect_dma source(%dma_start3A_12 : memref<10240x768xf32, #tpu.memory_space<hbm>>) target(%arg5 : memref<64x768xf32, #tpu.memory_space<vmem>>) offsets(%arg6 : memref<64xi32, #tpu.memory_space<vmem>>) semaphore(%arg10 : memref<!tpu.dma_semaphore, #tpu.memory_space<semaphore_mem>>)
    %dma_wait3A = arith.constant 0 : i32
    %dma_wait3A_13 = arith.constant 0 : i32
    %dma_wait3A_14 = tpu.memref_slice %arg2[%dma_wait3A, %dma_wait3A_13] : memref<10240x768xf32, #tpu.memory_space<hbm>> -> memref<10240x768xf32, #tpu.memory_space<hbm>>
    tpu.wait_indirect_dma semaphore(%arg10 : memref<!tpu.dma_semaphore, #tpu.memory_space<semaphore_mem>>) src(%dma_wait3A_14 : memref<10240x768xf32, #tpu.memory_space<hbm>>) dst(%arg5 : memref<64x768xf32, #tpu.memory_space<vmem>>)
    %add3A_15 = arith.constant 0 : i32
    %add3A_16 = arith.addi %mul3A_2, %add3A_15 : i32
    "tpu.region"() ({
      %run_scoped3A = tpu.sem_alloc : memref<!tpu.dma_semaphore, #tpu.memory_space<semaphore_mem>>
      %dma_start3A_41 = arith.constant 0 : i32
      %dma_start3A_42 = tpu.memref_slice %arg4[%add3A_16, %dma_start3A_41] : memref<8192x768xf32, #tpu.memory_space<hbm>> -> memref<64x768xf32, #tpu.memory_space<hbm>>
      %dma_start3A_43 = arith.constant 0 : i32
      %dma_start3A_44 = tpu.memref_slice %arg4[%add3A_16, %dma_start3A_43] : memref<8192x768xf32, #tpu.memory_space<hbm>> -> memref<64x768xf32, #tpu.memory_space<hbm>>
      tpu.enqueue_dma source(%arg5 : memref<64x768xf32, #tpu.memory_space<vmem>>) target(%dma_start3A_44 : memref<64x768xf32, #tpu.memory_space<hbm>>) target_semaphore(%run_scoped3A : memref<!tpu.dma_semaphore, #tpu.memory_space<semaphore_mem>>)
      %dma_wait3A_45 = arith.constant 0 : i32
      %dma_wait3A_46 = tpu.memref_slice %arg4[%add3A_16, %dma_wait3A_45] : memref<8192x768xf32, #tpu.memory_space<hbm>> -> memref<64x768xf32, #tpu.memory_space<hbm>>
      %dma_wait3A_47 = arith.constant 0 : i32
      %dma_wait3A_48 = tpu.memref_slice %arg4[%add3A_16, %dma_wait3A_47] : memref<8192x768xf32, #tpu.memory_space<hbm>> -> memref<64x768xf32, #tpu.memory_space<hbm>>
      tpu.wait_dma2 semaphore(%run_scoped3A : memref<!tpu.dma_semaphore, #tpu.memory_space<semaphore_mem>>) src(%arg5 : memref<64x768xf32, #tpu.memory_space<vmem>>) dst(%dma_wait3A_48 : memref<64x768xf32, #tpu.memory_space<hbm>>)
      tpu.yield
    }) : () -> ()
    %dma_start3A_17 = arith.constant 0 : i32
    %dma_start3A_18 = arith.constant 0 : i32
    %dma_start3A_19 = tpu.memref_slice %arg2[%dma_start3A_17, %dma_start3A_18] : memref<10240x768xf32, #tpu.memory_space<hbm>> -> memref<10240x768xf32, #tpu.memory_space<hbm>>
    tpu.enqueue_indirect_dma source(%dma_start3A_19 : memref<10240x768xf32, #tpu.memory_space<hbm>>) target(%arg5 : memref<64x768xf32, #tpu.memory_space<vmem>>) offsets(%arg7 : memref<64xi32, #tpu.memory_space<vmem>>) semaphore(%arg10 : memref<!tpu.dma_semaphore, #tpu.memory_space<semaphore_mem>>)
    %dma_wait3A_20 = arith.constant 0 : i32
    %dma_wait3A_21 = arith.constant 0 : i32
    %dma_wait3A_22 = tpu.memref_slice %arg2[%dma_wait3A_20, %dma_wait3A_21] : memref<10240x768xf32, #tpu.memory_space<hbm>> -> memref<10240x768xf32, #tpu.memory_space<hbm>>
    tpu.wait_indirect_dma semaphore(%arg10 : memref<!tpu.dma_semaphore, #tpu.memory_space<semaphore_mem>>) src(%dma_wait3A_22 : memref<10240x768xf32, #tpu.memory_space<hbm>>) dst(%arg5 : memref<64x768xf32, #tpu.memory_space<vmem>>)
    %add3A_23 = arith.constant 64 : i32
    %add3A_24 = arith.addi %mul3A_2, %add3A_23 : i32
    "tpu.region"() ({
      %run_scoped3A = tpu.sem_alloc : memref<!tpu.dma_semaphore, #tpu.memory_space<semaphore_mem>>
      %dma_start3A_41 = arith.constant 0 : i32
      %dma_start3A_42 = tpu.memref_slice %arg4[%add3A_24, %dma_start3A_41] : memref<8192x768xf32, #tpu.memory_space<hbm>> -> memref<64x768xf32, #tpu.memory_space<hbm>>
      %dma_start3A_43 = arith.constant 0 : i32
      %dma_start3A_44 = tpu.memref_slice %arg4[%add3A_24, %dma_start3A_43] : memref<8192x768xf32, #tpu.memory_space<hbm>> -> memref<64x768xf32, #tpu.memory_space<hbm>>
      tpu.enqueue_dma source(%arg5 : memref<64x768xf32, #tpu.memory_space<vmem>>) target(%dma_start3A_44 : memref<64x768xf32, #tpu.memory_space<hbm>>) target_semaphore(%run_scoped3A : memref<!tpu.dma_semaphore, #tpu.memory_space<semaphore_mem>>)
      %dma_wait3A_45 = arith.constant 0 : i32
      %dma_wait3A_46 = tpu.memref_slice %arg4[%add3A_24, %dma_wait3A_45] : memref<8192x768xf32, #tpu.memory_space<hbm>> -> memref<64x768xf32, #tpu.memory_space<hbm>>
      %dma_wait3A_47 = arith.constant 0 : i32
      %dma_wait3A_48 = tpu.memref_slice %arg4[%add3A_24, %dma_wait3A_47] : memref<8192x768xf32, #tpu.memory_space<hbm>> -> memref<64x768xf32, #tpu.memory_space<hbm>>
      tpu.wait_dma2 semaphore(%run_scoped3A : memref<!tpu.dma_semaphore, #tpu.memory_space<semaphore_mem>>) src(%arg5 : memref<64x768xf32, #tpu.memory_space<vmem>>) dst(%dma_wait3A_48 : memref<64x768xf32, #tpu.memory_space<hbm>>)
      tpu.yield
    }) : () -> ()
    %dma_start3A_25 = arith.constant 0 : i32
    %dma_start3A_26 = arith.constant 0 : i32
    %dma_start3A_27 = tpu.memref_slice %arg2[%dma_start3A_25, %dma_start3A_26] : memref<10240x768xf32, #tpu.memory_space<hbm>> -> memref<10240x768xf32, #tpu.memory_space<hbm>>
    tpu.enqueue_indirect_dma source(%dma_start3A_27 : memref<10240x768xf32, #tpu.memory_space<hbm>>) target(%arg5 : memref<64x768xf32, #tpu.memory_space<vmem>>) offsets(%arg8 : memref<64xi32, #tpu.memory_space<vmem>>) semaphore(%arg10 : memref<!tpu.dma_semaphore, #tpu.memory_space<semaphore_mem>>)
    %dma_wait3A_28 = arith.constant 0 : i32
    %dma_wait3A_29 = arith.constant 0 : i32
    %dma_wait3A_30 = tpu.memref_slice %arg2[%dma_wait3A_28, %dma_wait3A_29] : memref<10240x768xf32, #tpu.memory_space<hbm>> -> memref<10240x768xf32, #tpu.memory_space<hbm>>
    tpu.wait_indirect_dma semaphore(%arg10 : memref<!tpu.dma_semaphore, #tpu.memory_space<semaphore_mem>>) src(%dma_wait3A_30 : memref<10240x768xf32, #tpu.memory_space<hbm>>) dst(%arg5 : memref<64x768xf32, #tpu.memory_space<vmem>>)
    %add3A_31 = arith.constant 128 : i32
    %add3A_32 = arith.addi %mul3A_2, %add3A_31 : i32
    "tpu.region"() ({
      %run_scoped3A = tpu.sem_alloc : memref<!tpu.dma_semaphore, #tpu.memory_space<semaphore_mem>>
      %dma_start3A_41 = arith.constant 0 : i32
      %dma_start3A_42 = tpu.memref_slice %arg4[%add3A_32, %dma_start3A_41] : memref<8192x768xf32, #tpu.memory_space<hbm>> -> memref<64x768xf32, #tpu.memory_space<hbm>>
      %dma_start3A_43 = arith.constant 0 : i32
      %dma_start3A_44 = tpu.memref_slice %arg4[%add3A_32, %dma_start3A_43] : memref<8192x768xf32, #tpu.memory_space<hbm>> -> memref<64x768xf32, #tpu.memory_space<hbm>>
      tpu.enqueue_dma source(%arg5 : memref<64x768xf32, #tpu.memory_space<vmem>>) target(%dma_start3A_44 : memref<64x768xf32, #tpu.memory_space<hbm>>) target_semaphore(%run_scoped3A : memref<!tpu.dma_semaphore, #tpu.memory_space<semaphore_mem>>)
      %dma_wait3A_45 = arith.constant 0 : i32
      %dma_wait3A_46 = tpu.memref_slice %arg4[%add3A_32, %dma_wait3A_45] : memref<8192x768xf32, #tpu.memory_space<hbm>> -> memref<64x768xf32, #tpu.memory_space<hbm>>
      %dma_wait3A_47 = arith.constant 0 : i32
      %dma_wait3A_48 = tpu.memref_slice %arg4[%add3A_32, %dma_wait3A_47] : memref<8192x768xf32, #tpu.memory_space<hbm>> -> memref<64x768xf32, #tpu.memory_space<hbm>>
      tpu.wait_dma2 semaphore(%run_scoped3A : memref<!tpu.dma_semaphore, #tpu.memory_space<semaphore_mem>>) src(%arg5 : memref<64x768xf32, #tpu.memory_space<vmem>>) dst(%dma_wait3A_48 : memref<64x768xf32, #tpu.memory_space<hbm>>)
      tpu.yield
    }) : () -> ()
    %dma_start3A_33 = arith.constant 0 : i32
    %dma_start3A_34 = arith.constant 0 : i32
    %dma_start3A_35 = tpu.memref_slice %arg2[%dma_start3A_33, %dma_start3A_34] : memref<10240x768xf32, #tpu.memory_space<hbm>> -> memref<10240x768xf32, #tpu.memory_space<hbm>>
    tpu.enqueue_indirect_dma source(%dma_start3A_35 : memref<10240x768xf32, #tpu.memory_space<hbm>>) target(%arg5 : memref<64x768xf32, #tpu.memory_space<vmem>>) offsets(%arg9 : memref<64xi32, #tpu.memory_space<vmem>>) semaphore(%arg10 : memref<!tpu.dma_semaphore, #tpu.memory_space<semaphore_mem>>)
    %dma_wait3A_36 = arith.constant 0 : i32
    %dma_wait3A_37 = arith.constant 0 : i32
    %dma_wait3A_38 = tpu.memref_slice %arg2[%dma_wait3A_36, %dma_wait3A_37] : memref<10240x768xf32, #tpu.memory_space<hbm>> -> memref<10240x768xf32, #tpu.memory_space<hbm>>
    tpu.wait_indirect_dma semaphore(%arg10 : memref<!tpu.dma_semaphore, #tpu.memory_space<semaphore_mem>>) src(%dma_wait3A_38 : memref<10240x768xf32, #tpu.memory_space<hbm>>) dst(%arg5 : memref<64x768xf32, #tpu.memory_space<vmem>>)
    %add3A_39 = arith.constant 192 : i32
    %add3A_40 = arith.addi %mul3A_2, %add3A_39 : i32
    "tpu.region"() ({
      %run_scoped3A = tpu.sem_alloc : memref<!tpu.dma_semaphore, #tpu.memory_space<semaphore_mem>>
      %dma_start3A_41 = arith.constant 0 : i32
      %dma_start3A_42 = tpu.memref_slice %arg4[%add3A_40, %dma_start3A_41] : memref<8192x768xf32, #tpu.memory_space<hbm>> -> memref<64x768xf32, #tpu.memory_space<hbm>>
      %dma_start3A_43 = arith.constant 0 : i32
      %dma_start3A_44 = tpu.memref_slice %arg4[%add3A_40, %dma_start3A_43] : memref<8192x768xf32, #tpu.memory_space<hbm>> -> memref<64x768xf32, #tpu.memory_space<hbm>>
      tpu.enqueue_dma source(%arg5 : memref<64x768xf32, #tpu.memory_space<vmem>>) target(%dma_start3A_44 : memref<64x768xf32, #tpu.memory_space<hbm>>) target_semaphore(%run_scoped3A : memref<!tpu.dma_semaphore, #tpu.memory_space<semaphore_mem>>)
      %dma_wait3A_45 = arith.constant 0 : i32
      %dma_wait3A_46 = tpu.memref_slice %arg4[%add3A_40, %dma_wait3A_45] : memref<8192x768xf32, #tpu.memory_space<hbm>> -> memref<64x768xf32, #tpu.memory_space<hbm>>
      %dma_wait3A_47 = arith.constant 0 : i32
      %dma_wait3A_48 = tpu.memref_slice %arg4[%add3A_40, %dma_wait3A_47] : memref<8192x768xf32, #tpu.memory_space<hbm>> -> memref<64x768xf32, #tpu.memory_space<hbm>>
      tpu.wait_dma2 semaphore(%run_scoped3A : memref<!tpu.dma_semaphore, #tpu.memory_space<semaphore_mem>>) src(%arg5 : memref<64x768xf32, #tpu.memory_space<vmem>>) dst(%dma_wait3A_48 : memref<64x768xf32, #tpu.memory_space<hbm>>)
      tpu.yield
    }) : () -> ()
    return
  }
}

#map = affine_map<(d0, d1) -> (0, 0)>
#map1 = affine_map<(d0, d1) -> (0)>
module attributes {stable_mosaic.version = 14 : i64} {
  func.func @_dispatch_body(%arg0: i32, %arg1: i32, %arg2: memref<8192x768xf32, #tpu.memory_space<hbm>>, %arg3: memref<8192x128xf32, #tpu.memory_space<hbm>>, %arg4: memref<8192xi32, #tpu.memory_space<hbm>>, %arg5: memref<10240x768xf32, #tpu.memory_space<hbm>>, %arg6: memref<10240x128xf32, #tpu.memory_space<hbm>>, %arg7: memref<64x768xf32, #tpu.memory_space<vmem>>, %arg8: memref<64x128xf32, #tpu.memory_space<vmem>>, %arg9: memref<64xi32, #tpu.memory_space<vmem>>, %arg10: memref<64xi32, #tpu.memory_space<vmem>>, %arg11: memref<64xi32, #tpu.memory_space<vmem>>, %arg12: memref<64xi32, #tpu.memory_space<vmem>>, %arg13: memref<!tpu.dma_semaphore, #tpu.memory_space<semaphore_mem>>) attributes {dimension_semantics = [#tpu.dimension_semantics<core_parallel>, #tpu.dimension_semantics<subcore_parallel>], iteration_bounds = array<i64: 2, 16>, scalar_prefetch = 0 : i64, scratch_operands = 7 : i64, tpu.core_type = #tpu.core_type<sc_vector_subcore>, window_params = [{transform_indices = #map}, {transform_indices = #map}, {transform_indices = #map1}, {transform_indices = #map}, {transform_indices = #map}]} {
    %mul3A = arith.constant 2 : i32
    %mul3A_0 = arith.muli %arg1, %mul3A : i32
    %add3A = arith.addi %mul3A_0, %arg0 : i32
    %mul3A_1 = arith.constant 256 : i32
    %mul3A_2 = arith.muli %add3A, %mul3A_1 : i32
    %add3A_3 = arith.constant 0 : i32
    %add3A_4 = arith.addi %mul3A_2, %add3A_3 : i32
    "tpu.region"() ({
      %run_scoped3A = tpu.sem_alloc : memref<!tpu.dma_semaphore, #tpu.memory_space<semaphore_mem>>
      %dma_start3A_73 = tpu.memref_slice %arg4[%add3A_4] : memref<8192xi32, #tpu.memory_space<hbm>> -> memref<64xi32, #tpu.memory_space<hbm>>
      %dma_start3A_74 = tpu.memref_slice %arg4[%add3A_4] : memref<8192xi32, #tpu.memory_space<hbm>> -> memref<64xi32, #tpu.memory_space<hbm>>
      tpu.enqueue_dma source(%dma_start3A_74 : memref<64xi32, #tpu.memory_space<hbm>>) target(%arg9 : memref<64xi32, #tpu.memory_space<vmem>>) target_semaphore(%run_scoped3A : memref<!tpu.dma_semaphore, #tpu.memory_space<semaphore_mem>>)
      %dma_wait3A_75 = tpu.memref_slice %arg4[%add3A_4] : memref<8192xi32, #tpu.memory_space<hbm>> -> memref<64xi32, #tpu.memory_space<hbm>>
      %dma_wait3A_76 = tpu.memref_slice %arg4[%add3A_4] : memref<8192xi32, #tpu.memory_space<hbm>> -> memref<64xi32, #tpu.memory_space<hbm>>
      tpu.wait_dma2 semaphore(%run_scoped3A : memref<!tpu.dma_semaphore, #tpu.memory_space<semaphore_mem>>) src(%dma_wait3A_76 : memref<64xi32, #tpu.memory_space<hbm>>) dst(%arg9 : memref<64xi32, #tpu.memory_space<vmem>>)
      tpu.yield
    }) : () -> ()
    %add3A_5 = arith.constant 64 : i32
    %add3A_6 = arith.addi %mul3A_2, %add3A_5 : i32
    "tpu.region"() ({
      %run_scoped3A = tpu.sem_alloc : memref<!tpu.dma_semaphore, #tpu.memory_space<semaphore_mem>>
      %dma_start3A_73 = tpu.memref_slice %arg4[%add3A_6] : memref<8192xi32, #tpu.memory_space<hbm>> -> memref<64xi32, #tpu.memory_space<hbm>>
      %dma_start3A_74 = tpu.memref_slice %arg4[%add3A_6] : memref<8192xi32, #tpu.memory_space<hbm>> -> memref<64xi32, #tpu.memory_space<hbm>>
      tpu.enqueue_dma source(%dma_start3A_74 : memref<64xi32, #tpu.memory_space<hbm>>) target(%arg10 : memref<64xi32, #tpu.memory_space<vmem>>) target_semaphore(%run_scoped3A : memref<!tpu.dma_semaphore, #tpu.memory_space<semaphore_mem>>)
      %dma_wait3A_75 = tpu.memref_slice %arg4[%add3A_6] : memref<8192xi32, #tpu.memory_space<hbm>> -> memref<64xi32, #tpu.memory_space<hbm>>
      %dma_wait3A_76 = tpu.memref_slice %arg4[%add3A_6] : memref<8192xi32, #tpu.memory_space<hbm>> -> memref<64xi32, #tpu.memory_space<hbm>>
      tpu.wait_dma2 semaphore(%run_scoped3A : memref<!tpu.dma_semaphore, #tpu.memory_space<semaphore_mem>>) src(%dma_wait3A_76 : memref<64xi32, #tpu.memory_space<hbm>>) dst(%arg10 : memref<64xi32, #tpu.memory_space<vmem>>)
      tpu.yield
    }) : () -> ()
    %add3A_7 = arith.constant 128 : i32
    %add3A_8 = arith.addi %mul3A_2, %add3A_7 : i32
    "tpu.region"() ({
      %run_scoped3A = tpu.sem_alloc : memref<!tpu.dma_semaphore, #tpu.memory_space<semaphore_mem>>
      %dma_start3A_73 = tpu.memref_slice %arg4[%add3A_8] : memref<8192xi32, #tpu.memory_space<hbm>> -> memref<64xi32, #tpu.memory_space<hbm>>
      %dma_start3A_74 = tpu.memref_slice %arg4[%add3A_8] : memref<8192xi32, #tpu.memory_space<hbm>> -> memref<64xi32, #tpu.memory_space<hbm>>
      tpu.enqueue_dma source(%dma_start3A_74 : memref<64xi32, #tpu.memory_space<hbm>>) target(%arg11 : memref<64xi32, #tpu.memory_space<vmem>>) target_semaphore(%run_scoped3A : memref<!tpu.dma_semaphore, #tpu.memory_space<semaphore_mem>>)
      %dma_wait3A_75 = tpu.memref_slice %arg4[%add3A_8] : memref<8192xi32, #tpu.memory_space<hbm>> -> memref<64xi32, #tpu.memory_space<hbm>>
      %dma_wait3A_76 = tpu.memref_slice %arg4[%add3A_8] : memref<8192xi32, #tpu.memory_space<hbm>> -> memref<64xi32, #tpu.memory_space<hbm>>
      tpu.wait_dma2 semaphore(%run_scoped3A : memref<!tpu.dma_semaphore, #tpu.memory_space<semaphore_mem>>) src(%dma_wait3A_76 : memref<64xi32, #tpu.memory_space<hbm>>) dst(%arg11 : memref<64xi32, #tpu.memory_space<vmem>>)
      tpu.yield
    }) : () -> ()
    %add3A_9 = arith.constant 192 : i32
    %add3A_10 = arith.addi %mul3A_2, %add3A_9 : i32
    "tpu.region"() ({
      %run_scoped3A = tpu.sem_alloc : memref<!tpu.dma_semaphore, #tpu.memory_space<semaphore_mem>>
      %dma_start3A_73 = tpu.memref_slice %arg4[%add3A_10] : memref<8192xi32, #tpu.memory_space<hbm>> -> memref<64xi32, #tpu.memory_space<hbm>>
      %dma_start3A_74 = tpu.memref_slice %arg4[%add3A_10] : memref<8192xi32, #tpu.memory_space<hbm>> -> memref<64xi32, #tpu.memory_space<hbm>>
      tpu.enqueue_dma source(%dma_start3A_74 : memref<64xi32, #tpu.memory_space<hbm>>) target(%arg12 : memref<64xi32, #tpu.memory_space<vmem>>) target_semaphore(%run_scoped3A : memref<!tpu.dma_semaphore, #tpu.memory_space<semaphore_mem>>)
      %dma_wait3A_75 = tpu.memref_slice %arg4[%add3A_10] : memref<8192xi32, #tpu.memory_space<hbm>> -> memref<64xi32, #tpu.memory_space<hbm>>
      %dma_wait3A_76 = tpu.memref_slice %arg4[%add3A_10] : memref<8192xi32, #tpu.memory_space<hbm>> -> memref<64xi32, #tpu.memory_space<hbm>>
      tpu.wait_dma2 semaphore(%run_scoped3A : memref<!tpu.dma_semaphore, #tpu.memory_space<semaphore_mem>>) src(%dma_wait3A_76 : memref<64xi32, #tpu.memory_space<hbm>>) dst(%arg12 : memref<64xi32, #tpu.memory_space<vmem>>)
      tpu.yield
    }) : () -> ()
    %add3A_11 = arith.constant 0 : i32
    %add3A_12 = arith.addi %mul3A_2, %add3A_11 : i32
    "tpu.region"() ({
      %run_scoped3A = tpu.sem_alloc : memref<!tpu.dma_semaphore, #tpu.memory_space<semaphore_mem>>
      %dma_start3A_73 = arith.constant 0 : i32
      %dma_start3A_74 = tpu.memref_slice %arg2[%add3A_12, %dma_start3A_73] : memref<8192x768xf32, #tpu.memory_space<hbm>> -> memref<64x768xf32, #tpu.memory_space<hbm>>
      %dma_start3A_75 = arith.constant 0 : i32
      %dma_start3A_76 = tpu.memref_slice %arg2[%add3A_12, %dma_start3A_75] : memref<8192x768xf32, #tpu.memory_space<hbm>> -> memref<64x768xf32, #tpu.memory_space<hbm>>
      tpu.enqueue_dma source(%dma_start3A_76 : memref<64x768xf32, #tpu.memory_space<hbm>>) target(%arg7 : memref<64x768xf32, #tpu.memory_space<vmem>>) target_semaphore(%run_scoped3A : memref<!tpu.dma_semaphore, #tpu.memory_space<semaphore_mem>>)
      %dma_wait3A_77 = arith.constant 0 : i32
      %dma_wait3A_78 = tpu.memref_slice %arg2[%add3A_12, %dma_wait3A_77] : memref<8192x768xf32, #tpu.memory_space<hbm>> -> memref<64x768xf32, #tpu.memory_space<hbm>>
      %dma_wait3A_79 = arith.constant 0 : i32
      %dma_wait3A_80 = tpu.memref_slice %arg2[%add3A_12, %dma_wait3A_79] : memref<8192x768xf32, #tpu.memory_space<hbm>> -> memref<64x768xf32, #tpu.memory_space<hbm>>
      tpu.wait_dma2 semaphore(%run_scoped3A : memref<!tpu.dma_semaphore, #tpu.memory_space<semaphore_mem>>) src(%dma_wait3A_80 : memref<64x768xf32, #tpu.memory_space<hbm>>) dst(%arg7 : memref<64x768xf32, #tpu.memory_space<vmem>>)
      tpu.yield
    }) : () -> ()
    %add3A_13 = arith.constant 0 : i32
    %add3A_14 = arith.addi %mul3A_2, %add3A_13 : i32
    "tpu.region"() ({
      %run_scoped3A = tpu.sem_alloc : memref<!tpu.dma_semaphore, #tpu.memory_space<semaphore_mem>>
      %dma_start3A_73 = arith.constant 0 : i32
      %dma_start3A_74 = tpu.memref_slice %arg3[%add3A_14, %dma_start3A_73] : memref<8192x128xf32, #tpu.memory_space<hbm>> -> memref<64x128xf32, #tpu.memory_space<hbm>>
      %dma_start3A_75 = arith.constant 0 : i32
      %dma_start3A_76 = tpu.memref_slice %arg3[%add3A_14, %dma_start3A_75] : memref<8192x128xf32, #tpu.memory_space<hbm>> -> memref<64x128xf32, #tpu.memory_space<hbm>>
      tpu.enqueue_dma source(%dma_start3A_76 : memref<64x128xf32, #tpu.memory_space<hbm>>) target(%arg8 : memref<64x128xf32, #tpu.memory_space<vmem>>) target_semaphore(%run_scoped3A : memref<!tpu.dma_semaphore, #tpu.memory_space<semaphore_mem>>)
      %dma_wait3A_77 = arith.constant 0 : i32
      %dma_wait3A_78 = tpu.memref_slice %arg3[%add3A_14, %dma_wait3A_77] : memref<8192x128xf32, #tpu.memory_space<hbm>> -> memref<64x128xf32, #tpu.memory_space<hbm>>
      %dma_wait3A_79 = arith.constant 0 : i32
      %dma_wait3A_80 = tpu.memref_slice %arg3[%add3A_14, %dma_wait3A_79] : memref<8192x128xf32, #tpu.memory_space<hbm>> -> memref<64x128xf32, #tpu.memory_space<hbm>>
      tpu.wait_dma2 semaphore(%run_scoped3A : memref<!tpu.dma_semaphore, #tpu.memory_space<semaphore_mem>>) src(%dma_wait3A_80 : memref<64x128xf32, #tpu.memory_space<hbm>>) dst(%arg8 : memref<64x128xf32, #tpu.memory_space<vmem>>)
      tpu.yield
    }) : () -> ()
    %dma_start3A = arith.constant 0 : i32
    %dma_start3A_15 = arith.constant 0 : i32
    %dma_start3A_16 = tpu.memref_slice %arg5[%dma_start3A, %dma_start3A_15] : memref<10240x768xf32, #tpu.memory_space<hbm>> -> memref<10240x768xf32, #tpu.memory_space<hbm>>
    tpu.enqueue_indirect_dma source(%arg7 : memref<64x768xf32, #tpu.memory_space<vmem>>) target(%dma_start3A_16 : memref<10240x768xf32, #tpu.memory_space<hbm>>) offsets(%arg9 : memref<64xi32, #tpu.memory_space<vmem>>) semaphore(%arg13 : memref<!tpu.dma_semaphore, #tpu.memory_space<semaphore_mem>>)
    %dma_wait3A = arith.constant 0 : i32
    %dma_wait3A_17 = arith.constant 0 : i32
    %dma_wait3A_18 = tpu.memref_slice %arg5[%dma_wait3A, %dma_wait3A_17] : memref<10240x768xf32, #tpu.memory_space<hbm>> -> memref<10240x768xf32, #tpu.memory_space<hbm>>
    tpu.wait_indirect_dma semaphore(%arg13 : memref<!tpu.dma_semaphore, #tpu.memory_space<semaphore_mem>>) src(%arg7 : memref<64x768xf32, #tpu.memory_space<vmem>>) dst(%dma_wait3A_18 : memref<10240x768xf32, #tpu.memory_space<hbm>>)
    %dma_start3A_19 = arith.constant 0 : i32
    %dma_start3A_20 = arith.constant 0 : i32
    %dma_start3A_21 = tpu.memref_slice %arg6[%dma_start3A_19, %dma_start3A_20] : memref<10240x128xf32, #tpu.memory_space<hbm>> -> memref<10240x128xf32, #tpu.memory_space<hbm>>
    tpu.enqueue_indirect_dma source(%arg8 : memref<64x128xf32, #tpu.memory_space<vmem>>) target(%dma_start3A_21 : memref<10240x128xf32, #tpu.memory_space<hbm>>) offsets(%arg9 : memref<64xi32, #tpu.memory_space<vmem>>) semaphore(%arg13 : memref<!tpu.dma_semaphore, #tpu.memory_space<semaphore_mem>>)
    %dma_wait3A_22 = arith.constant 0 : i32
    %dma_wait3A_23 = arith.constant 0 : i32
    %dma_wait3A_24 = tpu.memref_slice %arg6[%dma_wait3A_22, %dma_wait3A_23] : memref<10240x128xf32, #tpu.memory_space<hbm>> -> memref<10240x128xf32, #tpu.memory_space<hbm>>
    tpu.wait_indirect_dma semaphore(%arg13 : memref<!tpu.dma_semaphore, #tpu.memory_space<semaphore_mem>>) src(%arg8 : memref<64x128xf32, #tpu.memory_space<vmem>>) dst(%dma_wait3A_24 : memref<10240x128xf32, #tpu.memory_space<hbm>>)
    %add3A_25 = arith.constant 64 : i32
    %add3A_26 = arith.addi %mul3A_2, %add3A_25 : i32
    "tpu.region"() ({
      %run_scoped3A = tpu.sem_alloc : memref<!tpu.dma_semaphore, #tpu.memory_space<semaphore_mem>>
      %dma_start3A_73 = arith.constant 0 : i32
      %dma_start3A_74 = tpu.memref_slice %arg2[%add3A_26, %dma_start3A_73] : memref<8192x768xf32, #tpu.memory_space<hbm>> -> memref<64x768xf32, #tpu.memory_space<hbm>>
      %dma_start3A_75 = arith.constant 0 : i32
      %dma_start3A_76 = tpu.memref_slice %arg2[%add3A_26, %dma_start3A_75] : memref<8192x768xf32, #tpu.memory_space<hbm>> -> memref<64x768xf32, #tpu.memory_space<hbm>>
      tpu.enqueue_dma source(%dma_start3A_76 : memref<64x768xf32, #tpu.memory_space<hbm>>) target(%arg7 : memref<64x768xf32, #tpu.memory_space<vmem>>) target_semaphore(%run_scoped3A : memref<!tpu.dma_semaphore, #tpu.memory_space<semaphore_mem>>)
      %dma_wait3A_77 = arith.constant 0 : i32
      %dma_wait3A_78 = tpu.memref_slice %arg2[%add3A_26, %dma_wait3A_77] : memref<8192x768xf32, #tpu.memory_space<hbm>> -> memref<64x768xf32, #tpu.memory_space<hbm>>
      %dma_wait3A_79 = arith.constant 0 : i32
      %dma_wait3A_80 = tpu.memref_slice %arg2[%add3A_26, %dma_wait3A_79] : memref<8192x768xf32, #tpu.memory_space<hbm>> -> memref<64x768xf32, #tpu.memory_space<hbm>>
      tpu.wait_dma2 semaphore(%run_scoped3A : memref<!tpu.dma_semaphore, #tpu.memory_space<semaphore_mem>>) src(%dma_wait3A_80 : memref<64x768xf32, #tpu.memory_space<hbm>>) dst(%arg7 : memref<64x768xf32, #tpu.memory_space<vmem>>)
      tpu.yield
    }) : () -> ()
    %add3A_27 = arith.constant 64 : i32
    %add3A_28 = arith.addi %mul3A_2, %add3A_27 : i32
    "tpu.region"() ({
      %run_scoped3A = tpu.sem_alloc : memref<!tpu.dma_semaphore, #tpu.memory_space<semaphore_mem>>
      %dma_start3A_73 = arith.constant 0 : i32
      %dma_start3A_74 = tpu.memref_slice %arg3[%add3A_28, %dma_start3A_73] : memref<8192x128xf32, #tpu.memory_space<hbm>> -> memref<64x128xf32, #tpu.memory_space<hbm>>
      %dma_start3A_75 = arith.constant 0 : i32
      %dma_start3A_76 = tpu.memref_slice %arg3[%add3A_28, %dma_start3A_75] : memref<8192x128xf32, #tpu.memory_space<hbm>> -> memref<64x128xf32, #tpu.memory_space<hbm>>
      tpu.enqueue_dma source(%dma_start3A_76 : memref<64x128xf32, #tpu.memory_space<hbm>>) target(%arg8 : memref<64x128xf32, #tpu.memory_space<vmem>>) target_semaphore(%run_scoped3A : memref<!tpu.dma_semaphore, #tpu.memory_space<semaphore_mem>>)
      %dma_wait3A_77 = arith.constant 0 : i32
      %dma_wait3A_78 = tpu.memref_slice %arg3[%add3A_28, %dma_wait3A_77] : memref<8192x128xf32, #tpu.memory_space<hbm>> -> memref<64x128xf32, #tpu.memory_space<hbm>>
      %dma_wait3A_79 = arith.constant 0 : i32
      %dma_wait3A_80 = tpu.memref_slice %arg3[%add3A_28, %dma_wait3A_79] : memref<8192x128xf32, #tpu.memory_space<hbm>> -> memref<64x128xf32, #tpu.memory_space<hbm>>
      tpu.wait_dma2 semaphore(%run_scoped3A : memref<!tpu.dma_semaphore, #tpu.memory_space<semaphore_mem>>) src(%dma_wait3A_80 : memref<64x128xf32, #tpu.memory_space<hbm>>) dst(%arg8 : memref<64x128xf32, #tpu.memory_space<vmem>>)
      tpu.yield
    }) : () -> ()
    %dma_start3A_29 = arith.constant 0 : i32
    %dma_start3A_30 = arith.constant 0 : i32
    %dma_start3A_31 = tpu.memref_slice %arg5[%dma_start3A_29, %dma_start3A_30] : memref<10240x768xf32, #tpu.memory_space<hbm>> -> memref<10240x768xf32, #tpu.memory_space<hbm>>
    tpu.enqueue_indirect_dma source(%arg7 : memref<64x768xf32, #tpu.memory_space<vmem>>) target(%dma_start3A_31 : memref<10240x768xf32, #tpu.memory_space<hbm>>) offsets(%arg10 : memref<64xi32, #tpu.memory_space<vmem>>) semaphore(%arg13 : memref<!tpu.dma_semaphore, #tpu.memory_space<semaphore_mem>>)
    %dma_wait3A_32 = arith.constant 0 : i32
    %dma_wait3A_33 = arith.constant 0 : i32
    %dma_wait3A_34 = tpu.memref_slice %arg5[%dma_wait3A_32, %dma_wait3A_33] : memref<10240x768xf32, #tpu.memory_space<hbm>> -> memref<10240x768xf32, #tpu.memory_space<hbm>>
    tpu.wait_indirect_dma semaphore(%arg13 : memref<!tpu.dma_semaphore, #tpu.memory_space<semaphore_mem>>) src(%arg7 : memref<64x768xf32, #tpu.memory_space<vmem>>) dst(%dma_wait3A_34 : memref<10240x768xf32, #tpu.memory_space<hbm>>)
    %dma_start3A_35 = arith.constant 0 : i32
    %dma_start3A_36 = arith.constant 0 : i32
    %dma_start3A_37 = tpu.memref_slice %arg6[%dma_start3A_35, %dma_start3A_36] : memref<10240x128xf32, #tpu.memory_space<hbm>> -> memref<10240x128xf32, #tpu.memory_space<hbm>>
    tpu.enqueue_indirect_dma source(%arg8 : memref<64x128xf32, #tpu.memory_space<vmem>>) target(%dma_start3A_37 : memref<10240x128xf32, #tpu.memory_space<hbm>>) offsets(%arg10 : memref<64xi32, #tpu.memory_space<vmem>>) semaphore(%arg13 : memref<!tpu.dma_semaphore, #tpu.memory_space<semaphore_mem>>)
    %dma_wait3A_38 = arith.constant 0 : i32
    %dma_wait3A_39 = arith.constant 0 : i32
    %dma_wait3A_40 = tpu.memref_slice %arg6[%dma_wait3A_38, %dma_wait3A_39] : memref<10240x128xf32, #tpu.memory_space<hbm>> -> memref<10240x128xf32, #tpu.memory_space<hbm>>
    tpu.wait_indirect_dma semaphore(%arg13 : memref<!tpu.dma_semaphore, #tpu.memory_space<semaphore_mem>>) src(%arg8 : memref<64x128xf32, #tpu.memory_space<vmem>>) dst(%dma_wait3A_40 : memref<10240x128xf32, #tpu.memory_space<hbm>>)
    %add3A_41 = arith.constant 128 : i32
    %add3A_42 = arith.addi %mul3A_2, %add3A_41 : i32
    "tpu.region"() ({
      %run_scoped3A = tpu.sem_alloc : memref<!tpu.dma_semaphore, #tpu.memory_space<semaphore_mem>>
      %dma_start3A_73 = arith.constant 0 : i32
      %dma_start3A_74 = tpu.memref_slice %arg2[%add3A_42, %dma_start3A_73] : memref<8192x768xf32, #tpu.memory_space<hbm>> -> memref<64x768xf32, #tpu.memory_space<hbm>>
      %dma_start3A_75 = arith.constant 0 : i32
      %dma_start3A_76 = tpu.memref_slice %arg2[%add3A_42, %dma_start3A_75] : memref<8192x768xf32, #tpu.memory_space<hbm>> -> memref<64x768xf32, #tpu.memory_space<hbm>>
      tpu.enqueue_dma source(%dma_start3A_76 : memref<64x768xf32, #tpu.memory_space<hbm>>) target(%arg7 : memref<64x768xf32, #tpu.memory_space<vmem>>) target_semaphore(%run_scoped3A : memref<!tpu.dma_semaphore, #tpu.memory_space<semaphore_mem>>)
      %dma_wait3A_77 = arith.constant 0 : i32
      %dma_wait3A_78 = tpu.memref_slice %arg2[%add3A_42, %dma_wait3A_77] : memref<8192x768xf32, #tpu.memory_space<hbm>> -> memref<64x768xf32, #tpu.memory_space<hbm>>
      %dma_wait3A_79 = arith.constant 0 : i32
      %dma_wait3A_80 = tpu.memref_slice %arg2[%add3A_42, %dma_wait3A_79] : memref<8192x768xf32, #tpu.memory_space<hbm>> -> memref<64x768xf32, #tpu.memory_space<hbm>>
      tpu.wait_dma2 semaphore(%run_scoped3A : memref<!tpu.dma_semaphore, #tpu.memory_space<semaphore_mem>>) src(%dma_wait3A_80 : memref<64x768xf32, #tpu.memory_space<hbm>>) dst(%arg7 : memref<64x768xf32, #tpu.memory_space<vmem>>)
      tpu.yield
    }) : () -> ()
    %add3A_43 = arith.constant 128 : i32
    %add3A_44 = arith.addi %mul3A_2, %add3A_43 : i32
    "tpu.region"() ({
      %run_scoped3A = tpu.sem_alloc : memref<!tpu.dma_semaphore, #tpu.memory_space<semaphore_mem>>
      %dma_start3A_73 = arith.constant 0 : i32
      %dma_start3A_74 = tpu.memref_slice %arg3[%add3A_44, %dma_start3A_73] : memref<8192x128xf32, #tpu.memory_space<hbm>> -> memref<64x128xf32, #tpu.memory_space<hbm>>
      %dma_start3A_75 = arith.constant 0 : i32
      %dma_start3A_76 = tpu.memref_slice %arg3[%add3A_44, %dma_start3A_75] : memref<8192x128xf32, #tpu.memory_space<hbm>> -> memref<64x128xf32, #tpu.memory_space<hbm>>
      tpu.enqueue_dma source(%dma_start3A_76 : memref<64x128xf32, #tpu.memory_space<hbm>>) target(%arg8 : memref<64x128xf32, #tpu.memory_space<vmem>>) target_semaphore(%run_scoped3A : memref<!tpu.dma_semaphore, #tpu.memory_space<semaphore_mem>>)
      %dma_wait3A_77 = arith.constant 0 : i32
      %dma_wait3A_78 = tpu.memref_slice %arg3[%add3A_44, %dma_wait3A_77] : memref<8192x128xf32, #tpu.memory_space<hbm>> -> memref<64x128xf32, #tpu.memory_space<hbm>>
      %dma_wait3A_79 = arith.constant 0 : i32
      %dma_wait3A_80 = tpu.memref_slice %arg3[%add3A_44, %dma_wait3A_79] : memref<8192x128xf32, #tpu.memory_space<hbm>> -> memref<64x128xf32, #tpu.memory_space<hbm>>
      tpu.wait_dma2 semaphore(%run_scoped3A : memref<!tpu.dma_semaphore, #tpu.memory_space<semaphore_mem>>) src(%dma_wait3A_80 : memref<64x128xf32, #tpu.memory_space<hbm>>) dst(%arg8 : memref<64x128xf32, #tpu.memory_space<vmem>>)
      tpu.yield
    }) : () -> ()
    %dma_start3A_45 = arith.constant 0 : i32
    %dma_start3A_46 = arith.constant 0 : i32
    %dma_start3A_47 = tpu.memref_slice %arg5[%dma_start3A_45, %dma_start3A_46] : memref<10240x768xf32, #tpu.memory_space<hbm>> -> memref<10240x768xf32, #tpu.memory_space<hbm>>
    tpu.enqueue_indirect_dma source(%arg7 : memref<64x768xf32, #tpu.memory_space<vmem>>) target(%dma_start3A_47 : memref<10240x768xf32, #tpu.memory_space<hbm>>) offsets(%arg11 : memref<64xi32, #tpu.memory_space<vmem>>) semaphore(%arg13 : memref<!tpu.dma_semaphore, #tpu.memory_space<semaphore_mem>>)
    %dma_wait3A_48 = arith.constant 0 : i32
    %dma_wait3A_49 = arith.constant 0 : i32
    %dma_wait3A_50 = tpu.memref_slice %arg5[%dma_wait3A_48, %dma_wait3A_49] : memref<10240x768xf32, #tpu.memory_space<hbm>> -> memref<10240x768xf32, #tpu.memory_space<hbm>>
    tpu.wait_indirect_dma semaphore(%arg13 : memref<!tpu.dma_semaphore, #tpu.memory_space<semaphore_mem>>) src(%arg7 : memref<64x768xf32, #tpu.memory_space<vmem>>) dst(%dma_wait3A_50 : memref<10240x768xf32, #tpu.memory_space<hbm>>)
    %dma_start3A_51 = arith.constant 0 : i32
    %dma_start3A_52 = arith.constant 0 : i32
    %dma_start3A_53 = tpu.memref_slice %arg6[%dma_start3A_51, %dma_start3A_52] : memref<10240x128xf32, #tpu.memory_space<hbm>> -> memref<10240x128xf32, #tpu.memory_space<hbm>>
    tpu.enqueue_indirect_dma source(%arg8 : memref<64x128xf32, #tpu.memory_space<vmem>>) target(%dma_start3A_53 : memref<10240x128xf32, #tpu.memory_space<hbm>>) offsets(%arg11 : memref<64xi32, #tpu.memory_space<vmem>>) semaphore(%arg13 : memref<!tpu.dma_semaphore, #tpu.memory_space<semaphore_mem>>)
    %dma_wait3A_54 = arith.constant 0 : i32
    %dma_wait3A_55 = arith.constant 0 : i32
    %dma_wait3A_56 = tpu.memref_slice %arg6[%dma_wait3A_54, %dma_wait3A_55] : memref<10240x128xf32, #tpu.memory_space<hbm>> -> memref<10240x128xf32, #tpu.memory_space<hbm>>
    tpu.wait_indirect_dma semaphore(%arg13 : memref<!tpu.dma_semaphore, #tpu.memory_space<semaphore_mem>>) src(%arg8 : memref<64x128xf32, #tpu.memory_space<vmem>>) dst(%dma_wait3A_56 : memref<10240x128xf32, #tpu.memory_space<hbm>>)
    %add3A_57 = arith.constant 192 : i32
    %add3A_58 = arith.addi %mul3A_2, %add3A_57 : i32
    "tpu.region"() ({
      %run_scoped3A = tpu.sem_alloc : memref<!tpu.dma_semaphore, #tpu.memory_space<semaphore_mem>>
      %dma_start3A_73 = arith.constant 0 : i32
      %dma_start3A_74 = tpu.memref_slice %arg2[%add3A_58, %dma_start3A_73] : memref<8192x768xf32, #tpu.memory_space<hbm>> -> memref<64x768xf32, #tpu.memory_space<hbm>>
      %dma_start3A_75 = arith.constant 0 : i32
      %dma_start3A_76 = tpu.memref_slice %arg2[%add3A_58, %dma_start3A_75] : memref<8192x768xf32, #tpu.memory_space<hbm>> -> memref<64x768xf32, #tpu.memory_space<hbm>>
      tpu.enqueue_dma source(%dma_start3A_76 : memref<64x768xf32, #tpu.memory_space<hbm>>) target(%arg7 : memref<64x768xf32, #tpu.memory_space<vmem>>) target_semaphore(%run_scoped3A : memref<!tpu.dma_semaphore, #tpu.memory_space<semaphore_mem>>)
      %dma_wait3A_77 = arith.constant 0 : i32
      %dma_wait3A_78 = tpu.memref_slice %arg2[%add3A_58, %dma_wait3A_77] : memref<8192x768xf32, #tpu.memory_space<hbm>> -> memref<64x768xf32, #tpu.memory_space<hbm>>
      %dma_wait3A_79 = arith.constant 0 : i32
      %dma_wait3A_80 = tpu.memref_slice %arg2[%add3A_58, %dma_wait3A_79] : memref<8192x768xf32, #tpu.memory_space<hbm>> -> memref<64x768xf32, #tpu.memory_space<hbm>>
      tpu.wait_dma2 semaphore(%run_scoped3A : memref<!tpu.dma_semaphore, #tpu.memory_space<semaphore_mem>>) src(%dma_wait3A_80 : memref<64x768xf32, #tpu.memory_space<hbm>>) dst(%arg7 : memref<64x768xf32, #tpu.memory_space<vmem>>)
      tpu.yield
    }) : () -> ()
    %add3A_59 = arith.constant 192 : i32
    %add3A_60 = arith.addi %mul3A_2, %add3A_59 : i32
    "tpu.region"() ({
      %run_scoped3A = tpu.sem_alloc : memref<!tpu.dma_semaphore, #tpu.memory_space<semaphore_mem>>
      %dma_start3A_73 = arith.constant 0 : i32
      %dma_start3A_74 = tpu.memref_slice %arg3[%add3A_60, %dma_start3A_73] : memref<8192x128xf32, #tpu.memory_space<hbm>> -> memref<64x128xf32, #tpu.memory_space<hbm>>
      %dma_start3A_75 = arith.constant 0 : i32
      %dma_start3A_76 = tpu.memref_slice %arg3[%add3A_60, %dma_start3A_75] : memref<8192x128xf32, #tpu.memory_space<hbm>> -> memref<64x128xf32, #tpu.memory_space<hbm>>
      tpu.enqueue_dma source(%dma_start3A_76 : memref<64x128xf32, #tpu.memory_space<hbm>>) target(%arg8 : memref<64x128xf32, #tpu.memory_space<vmem>>) target_semaphore(%run_scoped3A : memref<!tpu.dma_semaphore, #tpu.memory_space<semaphore_mem>>)
      %dma_wait3A_77 = arith.constant 0 : i32
      %dma_wait3A_78 = tpu.memref_slice %arg3[%add3A_60, %dma_wait3A_77] : memref<8192x128xf32, #tpu.memory_space<hbm>> -> memref<64x128xf32, #tpu.memory_space<hbm>>
      %dma_wait3A_79 = arith.constant 0 : i32
      %dma_wait3A_80 = tpu.memref_slice %arg3[%add3A_60, %dma_wait3A_79] : memref<8192x128xf32, #tpu.memory_space<hbm>> -> memref<64x128xf32, #tpu.memory_space<hbm>>
      tpu.wait_dma2 semaphore(%run_scoped3A : memref<!tpu.dma_semaphore, #tpu.memory_space<semaphore_mem>>) src(%dma_wait3A_80 : memref<64x128xf32, #tpu.memory_space<hbm>>) dst(%arg8 : memref<64x128xf32, #tpu.memory_space<vmem>>)
      tpu.yield
    }) : () -> ()
    %dma_start3A_61 = arith.constant 0 : i32
    %dma_start3A_62 = arith.constant 0 : i32
    %dma_start3A_63 = tpu.memref_slice %arg5[%dma_start3A_61, %dma_start3A_62] : memref<10240x768xf32, #tpu.memory_space<hbm>> -> memref<10240x768xf32, #tpu.memory_space<hbm>>
    tpu.enqueue_indirect_dma source(%arg7 : memref<64x768xf32, #tpu.memory_space<vmem>>) target(%dma_start3A_63 : memref<10240x768xf32, #tpu.memory_space<hbm>>) offsets(%arg12 : memref<64xi32, #tpu.memory_space<vmem>>) semaphore(%arg13 : memref<!tpu.dma_semaphore, #tpu.memory_space<semaphore_mem>>)
    %dma_wait3A_64 = arith.constant 0 : i32
    %dma_wait3A_65 = arith.constant 0 : i32
    %dma_wait3A_66 = tpu.memref_slice %arg5[%dma_wait3A_64, %dma_wait3A_65] : memref<10240x768xf32, #tpu.memory_space<hbm>> -> memref<10240x768xf32, #tpu.memory_space<hbm>>
    tpu.wait_indirect_dma semaphore(%arg13 : memref<!tpu.dma_semaphore, #tpu.memory_space<semaphore_mem>>) src(%arg7 : memref<64x768xf32, #tpu.memory_space<vmem>>) dst(%dma_wait3A_66 : memref<10240x768xf32, #tpu.memory_space<hbm>>)
    %dma_start3A_67 = arith.constant 0 : i32
    %dma_start3A_68 = arith.constant 0 : i32
    %dma_start3A_69 = tpu.memref_slice %arg6[%dma_start3A_67, %dma_start3A_68] : memref<10240x128xf32, #tpu.memory_space<hbm>> -> memref<10240x128xf32, #tpu.memory_space<hbm>>
    tpu.enqueue_indirect_dma source(%arg8 : memref<64x128xf32, #tpu.memory_space<vmem>>) target(%dma_start3A_69 : memref<10240x128xf32, #tpu.memory_space<hbm>>) offsets(%arg12 : memref<64xi32, #tpu.memory_space<vmem>>) semaphore(%arg13 : memref<!tpu.dma_semaphore, #tpu.memory_space<semaphore_mem>>)
    %dma_wait3A_70 = arith.constant 0 : i32
    %dma_wait3A_71 = arith.constant 0 : i32
    %dma_wait3A_72 = tpu.memref_slice %arg6[%dma_wait3A_70, %dma_wait3A_71] : memref<10240x128xf32, #tpu.memory_space<hbm>> -> memref<10240x128xf32, #tpu.memory_space<hbm>>
    tpu.wait_indirect_dma semaphore(%arg13 : memref<!tpu.dma_semaphore, #tpu.memory_space<semaphore_mem>>) src(%arg8 : memref<64x128xf32, #tpu.memory_space<vmem>>) dst(%dma_wait3A_72 : memref<10240x128xf32, #tpu.memory_space<hbm>>)
    return
  }
}

module attributes {stable_mosaic.version = 14 : i64} {
  func.func @_plan_block(%arg0: i32, %arg1: memref<64x128xi32, #tpu.memory_space<vmem>>, %arg2: memref<64x128xi32, #tpu.memory_space<vmem>>, %arg3: memref<1x32xi32, #tpu.memory_space<vmem>>, %arg4: memref<64x128xi32, #tpu.memory_space<vmem>>, %arg5: memref<1x48xi32, #tpu.memory_space<vmem>>) attributes {dimension_semantics = [#tpu.dimension_semantics<arbitrary>], iteration_bounds = array<i64: 1>, scalar_prefetch = 0 : i64, scratch_operands = 0 : i64, tpu.core_type = #tpu.core_type<tc>, window_params = [{pipeline_mode = #tpu.pipeline_mode<synchronous>, transform_indices = @transform_0, window_bounds = array<i64: 64, 128>}, {pipeline_mode = #tpu.pipeline_mode<synchronous>, transform_indices = @transform_1, window_bounds = array<i64: 64, 128>}, {pipeline_mode = #tpu.pipeline_mode<synchronous>, transform_indices = @transform_2, window_bounds = array<i64: 1, 32>}, {pipeline_mode = #tpu.pipeline_mode<synchronous>, transform_indices = @transform_3, window_bounds = array<i64: 64, 128>}, {pipeline_mode = #tpu.pipeline_mode<synchronous>, transform_indices = @transform_4, window_bounds = array<i64: 1, 48>}]} {
    %get3A = arith.constant 0 : index
    %get3A_0 = arith.constant 0 : index
    %get3A_1 = vector.load %arg3[%get3A, %get3A_0] : memref<1x32xi32, #tpu.memory_space<vmem>>, vector<1x32xi32>
    %get3A_2 = arith.constant 0 : index
    %get3A_3 = arith.constant 0 : index
    %get3A_4 = vector.load %arg1[%get3A_2, %get3A_3] : memref<64x128xi32, #tpu.memory_space<vmem>>, vector<64x128xi32>
    %get3A_5 = arith.constant 0 : index
    %get3A_6 = arith.constant 0 : index
    %get3A_7 = vector.load %arg2[%get3A_5, %get3A_6] : memref<64x128xi32, #tpu.memory_space<vmem>>, vector<64x128xi32>
    %eq3A = arith.constant 0 : i32
    %eq3A_8 = vector.broadcast %eq3A : i32 to vector<64x128xi32>
    %eq3A_9 = arith.cmpi eq, %get3A_4, %eq3A_8 : vector<64x128xi32>
    %slice3A = vector.extract_strided_slice %get3A_1 {offsets = [0, 0], sizes = [1, 1], strides = [1, 1]} : vector<1x32xi32> to vector<1x1xi32>
    %squeeze3A = vector.extract %slice3A[0, 0] : i32 from vector<1x1xi32>
    %add3A = vector.broadcast %squeeze3A : i32 to vector<64x128xi32>
    %add3A_10 = arith.addi %get3A_7, %add3A : vector<64x128xi32>
    %select_n3A = arith.select %eq3A_9, %add3A_10, %get3A_7 : vector<64x128xi1>, vector<64x128xi32>
    %eq3A_11 = arith.constant 1 : i32
    %eq3A_12 = vector.broadcast %eq3A_11 : i32 to vector<64x128xi32>
    %eq3A_13 = arith.cmpi eq, %get3A_4, %eq3A_12 : vector<64x128xi32>
    %slice3A_14 = vector.extract_strided_slice %get3A_1 {offsets = [0, 1], sizes = [1, 1], strides = [1, 1]} : vector<1x32xi32> to vector<1x1xi32>
    %squeeze3A_15 = vector.extract %slice3A_14[0, 0] : i32 from vector<1x1xi32>
    %add3A_16 = vector.broadcast %squeeze3A_15 : i32 to vector<64x128xi32>
    %add3A_17 = arith.addi %select_n3A, %add3A_16 : vector<64x128xi32>
    %select_n3A_18 = arith.select %eq3A_13, %add3A_17, %select_n3A : vector<64x128xi1>, vector<64x128xi32>
    %eq3A_19 = arith.constant 2 : i32
    %eq3A_20 = vector.broadcast %eq3A_19 : i32 to vector<64x128xi32>
    %eq3A_21 = arith.cmpi eq, %get3A_4, %eq3A_20 : vector<64x128xi32>
    %slice3A_22 = vector.extract_strided_slice %get3A_1 {offsets = [0, 2], sizes = [1, 1], strides = [1, 1]} : vector<1x32xi32> to vector<1x1xi32>
    %squeeze3A_23 = vector.extract %slice3A_22[0, 0] : i32 from vector<1x1xi32>
    %add3A_24 = vector.broadcast %squeeze3A_23 : i32 to vector<64x128xi32>
    %add3A_25 = arith.addi %select_n3A_18, %add3A_24 : vector<64x128xi32>
    %select_n3A_26 = arith.select %eq3A_21, %add3A_25, %select_n3A_18 : vector<64x128xi1>, vector<64x128xi32>
    %eq3A_27 = arith.constant 3 : i32
    %eq3A_28 = vector.broadcast %eq3A_27 : i32 to vector<64x128xi32>
    %eq3A_29 = arith.cmpi eq, %get3A_4, %eq3A_28 : vector<64x128xi32>
    %slice3A_30 = vector.extract_strided_slice %get3A_1 {offsets = [0, 3], sizes = [1, 1], strides = [1, 1]} : vector<1x32xi32> to vector<1x1xi32>
    %squeeze3A_31 = vector.extract %slice3A_30[0, 0] : i32 from vector<1x1xi32>
    %add3A_32 = vector.broadcast %squeeze3A_31 : i32 to vector<64x128xi32>
    %add3A_33 = arith.addi %select_n3A_26, %add3A_32 : vector<64x128xi32>
    %select_n3A_34 = arith.select %eq3A_29, %add3A_33, %select_n3A_26 : vector<64x128xi1>, vector<64x128xi32>
    %eq3A_35 = arith.constant 4 : i32
    %eq3A_36 = vector.broadcast %eq3A_35 : i32 to vector<64x128xi32>
    %eq3A_37 = arith.cmpi eq, %get3A_4, %eq3A_36 : vector<64x128xi32>
    %slice3A_38 = vector.extract_strided_slice %get3A_1 {offsets = [0, 4], sizes = [1, 1], strides = [1, 1]} : vector<1x32xi32> to vector<1x1xi32>
    %squeeze3A_39 = vector.extract %slice3A_38[0, 0] : i32 from vector<1x1xi32>
    %add3A_40 = vector.broadcast %squeeze3A_39 : i32 to vector<64x128xi32>
    %add3A_41 = arith.addi %select_n3A_34, %add3A_40 : vector<64x128xi32>
    %select_n3A_42 = arith.select %eq3A_37, %add3A_41, %select_n3A_34 : vector<64x128xi1>, vector<64x128xi32>
    %eq3A_43 = arith.constant 5 : i32
    %eq3A_44 = vector.broadcast %eq3A_43 : i32 to vector<64x128xi32>
    %eq3A_45 = arith.cmpi eq, %get3A_4, %eq3A_44 : vector<64x128xi32>
    %slice3A_46 = vector.extract_strided_slice %get3A_1 {offsets = [0, 5], sizes = [1, 1], strides = [1, 1]} : vector<1x32xi32> to vector<1x1xi32>
    %squeeze3A_47 = vector.extract %slice3A_46[0, 0] : i32 from vector<1x1xi32>
    %add3A_48 = vector.broadcast %squeeze3A_47 : i32 to vector<64x128xi32>
    %add3A_49 = arith.addi %select_n3A_42, %add3A_48 : vector<64x128xi32>
    %select_n3A_50 = arith.select %eq3A_45, %add3A_49, %select_n3A_42 : vector<64x128xi1>, vector<64x128xi32>
    %eq3A_51 = arith.constant 6 : i32
    %eq3A_52 = vector.broadcast %eq3A_51 : i32 to vector<64x128xi32>
    %eq3A_53 = arith.cmpi eq, %get3A_4, %eq3A_52 : vector<64x128xi32>
    %slice3A_54 = vector.extract_strided_slice %get3A_1 {offsets = [0, 6], sizes = [1, 1], strides = [1, 1]} : vector<1x32xi32> to vector<1x1xi32>
    %squeeze3A_55 = vector.extract %slice3A_54[0, 0] : i32 from vector<1x1xi32>
    %add3A_56 = vector.broadcast %squeeze3A_55 : i32 to vector<64x128xi32>
    %add3A_57 = arith.addi %select_n3A_50, %add3A_56 : vector<64x128xi32>
    %select_n3A_58 = arith.select %eq3A_53, %add3A_57, %select_n3A_50 : vector<64x128xi1>, vector<64x128xi32>
    %eq3A_59 = arith.constant 7 : i32
    %eq3A_60 = vector.broadcast %eq3A_59 : i32 to vector<64x128xi32>
    %eq3A_61 = arith.cmpi eq, %get3A_4, %eq3A_60 : vector<64x128xi32>
    %slice3A_62 = vector.extract_strided_slice %get3A_1 {offsets = [0, 7], sizes = [1, 1], strides = [1, 1]} : vector<1x32xi32> to vector<1x1xi32>
    %squeeze3A_63 = vector.extract %slice3A_62[0, 0] : i32 from vector<1x1xi32>
    %add3A_64 = vector.broadcast %squeeze3A_63 : i32 to vector<64x128xi32>
    %add3A_65 = arith.addi %select_n3A_58, %add3A_64 : vector<64x128xi32>
    %select_n3A_66 = arith.select %eq3A_61, %add3A_65, %select_n3A_58 : vector<64x128xi1>, vector<64x128xi32>
    %swap3A = arith.constant 0 : index
    %swap3A_67 = arith.constant 0 : index
    %swap3A_68 = vector.load %arg4[%swap3A, %swap3A_67] : memref<64x128xi32, #tpu.memory_space<vmem>>, vector<64x128xi32>
    tpu.vector_store %arg4[%swap3A, %swap3A_67], %select_n3A_66 {strides = array<i32>} : memref<64x128xi32, #tpu.memory_space<vmem>>, vector<64x128xi32>,
    %iota3A = tpu.iota {dimensions = array<i32: 1>} : vector<1x48xi32>
    %mul3A = arith.constant 256 : i32
    %mul3A_69 = vector.broadcast %mul3A : i32 to vector<1x48xi32>
    %mul3A_70 = arith.muli %iota3A, %mul3A_69 : vector<1x48xi32>
    %broadcast_in_dim3A = arith.constant 0 : i32
    %broadcast_in_dim3A_71 = vector.broadcast %broadcast_in_dim3A : i32 to vector<1x48xi32>
    %slice3A_72 = vector.extract_strided_slice %get3A_1 {offsets = [0, 16], sizes = [1, 1], strides = [1, 1]} : vector<1x32xi32> to vector<1x1xi32>
    %squeeze3A_73 = vector.extract %slice3A_72[0, 0] : i32 from vector<1x1xi32>
    %le3A = vector.broadcast %squeeze3A_73 : i32 to vector<1x48xi32>
    %le3A_74 = arith.cmpi sle, %le3A, %mul3A_70 : vector<1x48xi32>
    %convert_element_type3A = arith.extui %le3A_74 : vector<1x48xi1> to vector<1x48xi32>
    %add3A_75 = arith.addi %broadcast_in_dim3A_71, %convert_element_type3A : vector<1x48xi32>
    %slice3A_76 = vector.extract_strided_slice %get3A_1 {offsets = [0, 17], sizes = [1, 1], strides = [1, 1]} : vector<1x32xi32> to vector<1x1xi32>
    %squeeze3A_77 = vector.extract %slice3A_76[0, 0] : i32 from vector<1x1xi32>
    %le3A_78 = vector.broadcast %squeeze3A_77 : i32 to vector<1x48xi32>
    %le3A_79 = arith.cmpi sle, %le3A_78, %mul3A_70 : vector<1x48xi32>
    %convert_element_type3A_80 = arith.extui %le3A_79 : vector<1x48xi1> to vector<1x48xi32>
    %add3A_81 = arith.addi %add3A_75, %convert_element_type3A_80 : vector<1x48xi32>
    %slice3A_82 = vector.extract_strided_slice %get3A_1 {offsets = [0, 18], sizes = [1, 1], strides = [1, 1]} : vector<1x32xi32> to vector<1x1xi32>
    %squeeze3A_83 = vector.extract %slice3A_82[0, 0] : i32 from vector<1x1xi32>
    %le3A_84 = vector.broadcast %squeeze3A_83 : i32 to vector<1x48xi32>
    %le3A_85 = arith.cmpi sle, %le3A_84, %mul3A_70 : vector<1x48xi32>
    %convert_element_type3A_86 = arith.extui %le3A_85 : vector<1x48xi1> to vector<1x48xi32>
    %add3A_87 = arith.addi %add3A_81, %convert_element_type3A_86 : vector<1x48xi32>
    %slice3A_88 = vector.extract_strided_slice %get3A_1 {offsets = [0, 19], sizes = [1, 1], strides = [1, 1]} : vector<1x32xi32> to vector<1x1xi32>
    %squeeze3A_89 = vector.extract %slice3A_88[0, 0] : i32 from vector<1x1xi32>
    %le3A_90 = vector.broadcast %squeeze3A_89 : i32 to vector<1x48xi32>
    %le3A_91 = arith.cmpi sle, %le3A_90, %mul3A_70 : vector<1x48xi32>
    %convert_element_type3A_92 = arith.extui %le3A_91 : vector<1x48xi1> to vector<1x48xi32>
    %add3A_93 = arith.addi %add3A_87, %convert_element_type3A_92 : vector<1x48xi32>
    %slice3A_94 = vector.extract_strided_slice %get3A_1 {offsets = [0, 20], sizes = [1, 1], strides = [1, 1]} : vector<1x32xi32> to vector<1x1xi32>
    %squeeze3A_95 = vector.extract %slice3A_94[0, 0] : i32 from vector<1x1xi32>
    %le3A_96 = vector.broadcast %squeeze3A_95 : i32 to vector<1x48xi32>
    %le3A_97 = arith.cmpi sle, %le3A_96, %mul3A_70 : vector<1x48xi32>
    %convert_element_type3A_98 = arith.extui %le3A_97 : vector<1x48xi1> to vector<1x48xi32>
    %add3A_99 = arith.addi %add3A_93, %convert_element_type3A_98 : vector<1x48xi32>
    %slice3A_100 = vector.extract_strided_slice %get3A_1 {offsets = [0, 21], sizes = [1, 1], strides = [1, 1]} : vector<1x32xi32> to vector<1x1xi32>
    %squeeze3A_101 = vector.extract %slice3A_100[0, 0] : i32 from vector<1x1xi32>
    %le3A_102 = vector.broadcast %squeeze3A_101 : i32 to vector<1x48xi32>
    %le3A_103 = arith.cmpi sle, %le3A_102, %mul3A_70 : vector<1x48xi32>
    %convert_element_type3A_104 = arith.extui %le3A_103 : vector<1x48xi1> to vector<1x48xi32>
    %add3A_105 = arith.addi %add3A_99, %convert_element_type3A_104 : vector<1x48xi32>
    %slice3A_106 = vector.extract_strided_slice %get3A_1 {offsets = [0, 22], sizes = [1, 1], strides = [1, 1]} : vector<1x32xi32> to vector<1x1xi32>
    %squeeze3A_107 = vector.extract %slice3A_106[0, 0] : i32 from vector<1x1xi32>
    %le3A_108 = vector.broadcast %squeeze3A_107 : i32 to vector<1x48xi32>
    %le3A_109 = arith.cmpi sle, %le3A_108, %mul3A_70 : vector<1x48xi32>
    %convert_element_type3A_110 = arith.extui %le3A_109 : vector<1x48xi1> to vector<1x48xi32>
    %add3A_111 = arith.addi %add3A_105, %convert_element_type3A_110 : vector<1x48xi32>
    %slice3A_112 = vector.extract_strided_slice %get3A_1 {offsets = [0, 23], sizes = [1, 1], strides = [1, 1]} : vector<1x32xi32> to vector<1x1xi32>
    %squeeze3A_113 = vector.extract %slice3A_112[0, 0] : i32 from vector<1x1xi32>
    %le3A_114 = vector.broadcast %squeeze3A_113 : i32 to vector<1x48xi32>
    %le3A_115 = arith.cmpi sle, %le3A_114, %mul3A_70 : vector<1x48xi32>
    %convert_element_type3A_116 = arith.extui %le3A_115 : vector<1x48xi1> to vector<1x48xi32>
    %add3A_117 = arith.addi %add3A_111, %convert_element_type3A_116 : vector<1x48xi32>
    %min3A = arith.constant 7 : i32
    %min3A_118 = vector.broadcast %min3A : i32 to vector<1x48xi32>
    %min3A_119 = arith.minsi %add3A_117, %min3A_118 : vector<1x48xi32>
    %swap3A_120 = arith.constant 0 : index
    %swap3A_121 = arith.constant 0 : index
    %swap3A_122 = vector.load %arg5[%swap3A_120, %swap3A_121] : memref<1x48xi32, #tpu.memory_space<vmem>>, vector<1x48xi32>
    tpu.vector_store %arg5[%swap3A_120, %swap3A_121], %min3A_119 {strides = array<i32>} : memref<1x48xi32, #tpu.memory_space<vmem>>, vector<1x48xi32>,
    return
  }
  func.func @transform_0(%arg0: i32) -> (i32, i32) {
    %c0_i32 = arith.constant 0 : i32
    %c0_i32_0 = arith.constant 0 : i32
    %c0_i32_1 = arith.constant 0 : i32
    return %c0_i32, %c0_i32_0 : i32, i32
  }
  func.func @transform_1(%arg0: i32) -> (i32, i32) {
    %c0_i32 = arith.constant 0 : i32
    %c0_i32_0 = arith.constant 0 : i32
    %c0_i32_1 = arith.constant 0 : i32
    return %c0_i32, %c0_i32_0 : i32, i32
  }
  func.func @transform_2(%arg0: i32) -> (i32, i32) {
    %c0_i32 = arith.constant 0 : i32
    %c0_i32_0 = arith.constant 0 : i32
    %c0_i32_1 = arith.constant 0 : i32
    return %c0_i32, %c0_i32_0 : i32, i32
  }
  func.func @transform_3(%arg0: i32) -> (i32, i32) {
    %c0_i32 = arith.constant 0 : i32
    %c0_i32_0 = arith.constant 0 : i32
    %c0_i32_1 = arith.constant 0 : i32
    return %c0_i32, %c0_i32_0 : i32, i32
  }
  func.func @transform_4(%arg0: i32) -> (i32, i32) {
    %c0_i32 = arith.constant 0 : i32
    %c0_i32_0 = arith.constant 0 : i32
    %c0_i32_1 = arith.constant 0 : i32
    return %c0_i32, %c0_i32_0 : i32, i32
  }
}

module attributes {stable_mosaic.version = 14 : i64} {
  func.func @_router_block(%arg0: i32, %arg1: memref<256x768xf32, #tpu.memory_space<vmem>>, %arg2: memref<768x8xf32, #tpu.memory_space<vmem>>, %arg3: memref<256x8xf32, #tpu.memory_space<vmem>>, %arg4: memref<256x1xi32, #tpu.memory_space<vmem>>, %arg5: memref<256x1xi32, #tpu.memory_space<vmem>>, %arg6: memref<256x128xf32, #tpu.memory_space<vmem>>, %arg7: memref<1x32xi32, #tpu.memory_space<vmem>>, %arg8: memref<1x1xf32, #tpu.memory_space<vmem>>, %arg9: memref<1x8xi32, #tpu.memory_space<vmem>>) attributes {dimension_semantics = [#tpu.dimension_semantics<arbitrary>], iteration_bounds = array<i64: 32>, scalar_prefetch = 0 : i64, scratch_operands = 1 : i64, tpu.core_type = #tpu.core_type<tc>, window_params = [{transform_indices = @transform_0, window_bounds = array<i64: 256, 768>}, {pipeline_mode = #tpu.pipeline_mode<synchronous>, transform_indices = @transform_1, window_bounds = array<i64: 768, 8>}, {transform_indices = @transform_2, window_bounds = array<i64: 256, 8>}, {transform_indices = @transform_3, window_bounds = array<i64: 256, 1>}, {transform_indices = @transform_4, window_bounds = array<i64: 256, 1>}, {transform_indices = @transform_5, window_bounds = array<i64: 256, 128>}, {pipeline_mode = #tpu.pipeline_mode<synchronous>, transform_indices = @transform_6, window_bounds = array<i64: 1, 32>}, {pipeline_mode = #tpu.pipeline_mode<synchronous>, transform_indices = @transform_7, window_bounds = array<i64: 1, 1>}]} {
    %eq3A = arith.constant 0 : i32
    %eq3A_0 = arith.cmpi eq, %arg0, %eq3A : i32
    %convert_element_type3A = arith.extui %eq3A_0 : i1 to i32
    %cond3A = arith.constant 0 : i32
    %cond3A_1 = arith.cmpi ne, %convert_element_type3A, %cond3A : i32
    scf.if %cond3A_1 {
      %broadcast_in_dim3A_93 = arith.constant 0 : i32
      %broadcast_in_dim3A_94 = vector.broadcast %broadcast_in_dim3A_93 : i32 to vector<1x8xi32>
      %swap3A_95 = arith.constant 0 : index
      %swap3A_96 = arith.constant 0 : index
      %swap3A_97 = vector.load %arg9[%swap3A_95, %swap3A_96] : memref<1x8xi32, #tpu.memory_space<vmem>>, vector<1x8xi32>
      tpu.vector_store %arg9[%swap3A_95, %swap3A_96], %broadcast_in_dim3A_94 {strides = array<i32>} : memref<1x8xi32, #tpu.memory_space<vmem>>, vector<1x8xi32>,
      %broadcast_in_dim3A_98 = arith.constant 0.000000e+00 : f32
      %broadcast_in_dim3A_99 = vector.broadcast %broadcast_in_dim3A_98 : f32 to vector<1x1xf32>
      %swap3A_100 = arith.constant 0 : index
      %swap3A_101 = arith.constant 0 : index
      %swap3A_102 = vector.load %arg8[%swap3A_100, %swap3A_101] : memref<1x1xf32, #tpu.memory_space<vmem>>, vector<1x1xf32>
      tpu.vector_store %arg8[%swap3A_100, %swap3A_101], %broadcast_in_dim3A_99 {strides = array<i32>} : memref<1x1xf32, #tpu.memory_space<vmem>>, vector<1x1xf32>,
    } else {
    }
    %get3A = arith.constant 0 : index
    %get3A_2 = arith.constant 0 : index
    %get3A_3 = vector.load %arg1[%get3A, %get3A_2] : memref<256x768xf32, #tpu.memory_space<vmem>>, vector<256x768xf32>
    %get3A_4 = arith.constant 0 : index
    %get3A_5 = arith.constant 0 : index
    %get3A_6 = vector.load %arg2[%get3A_4, %get3A_5] : memref<768x8xf32, #tpu.memory_space<vmem>>, vector<768x8xf32>
    %dot_general3A = arith.constant dense<0.000000e+00> : vector<256x8xf32>
    %dot_general3A_7 = tpu.matmul %get3A_3, %get3A_6, %dot_general3A {dimension_numbers = #tpu.dot_dimension_numbers<[1], [0], [0], [1], [0, 0, 1, 1], [], []>, transpose_lhs_hint = false} : vector<256x768xf32>, vector<768x8xf32>, vector<256x8xf32> -> vector<256x8xf32>
    %reduce_max3A = arith.constant dense<0xFF800000> : vector<256xf32>
    %reduce_max3A_8 = vector.multi_reduction <maximumf>, %dot_general3A_7, %reduce_max3A [1] : vector<256x8xf32> to vector<256xf32>
    %broadcast_in_dim3A = vector.shape_cast %reduce_max3A_8 : vector<256xf32> to vector<256x1xf32>
    %sub3A = vector.broadcast %broadcast_in_dim3A : vector<256x1xf32> to vector<256x8xf32>
    %sub3A_9 = arith.subf %dot_general3A_7, %sub3A : vector<256x8xf32>
    %exp3A = math.exp %sub3A_9 : vector<256x8xf32>
    %reduce_sum3A = arith.constant dense<0.000000e+00> : vector<256xf32>
    %reduce_sum3A_10 = vector.multi_reduction <add>, %exp3A, %reduce_sum3A [1] : vector<256x8xf32> to vector<256xf32>
    %broadcast_in_dim3A_11 = vector.shape_cast %reduce_sum3A_10 : vector<256xf32> to vector<256x1xf32>
    %div3A = vector.broadcast %broadcast_in_dim3A_11 : vector<256x1xf32> to vector<256x8xf32>
    %div3A_12 = arith.divf %exp3A, %div3A : vector<256x8xf32>
    %swap3A = arith.constant 0 : index
    %swap3A_13 = arith.constant 0 : index
    %swap3A_14 = vector.load %arg3[%swap3A, %swap3A_13] : memref<256x8xf32, #tpu.memory_space<vmem>>, vector<256x8xf32>
    tpu.vector_store %arg3[%swap3A, %swap3A_13], %div3A_12 {strides = array<i32>} : memref<256x8xf32, #tpu.memory_space<vmem>>, vector<256x8xf32>,
    %argmax3A = tpu.reduce_index %div3A_12 {axis = 1 : i32, kind = #tpu.reduction_kind<arg_max>} : vector<256x8xf32> -> vector<256xi32>
    %reduce_max3A_15 = arith.constant dense<0xFF800000> : vector<256xf32>
    %reduce_max3A_16 = vector.multi_reduction <maximumf>, %div3A_12, %reduce_max3A_15 [1] : vector<256x8xf32> to vector<256xf32>
    %broadcast_in_dim3A_17 = vector.shape_cast %argmax3A : vector<256xi32> to vector<256x1xi32>
    %swap3A_18 = arith.constant 0 : index
    %swap3A_19 = arith.constant 0 : index
    %swap3A_20 = vector.load %arg4[%swap3A_18, %swap3A_19] : memref<256x1xi32, #tpu.memory_space<vmem>>, vector<256x1xi32>
    tpu.vector_store %arg4[%swap3A_18, %swap3A_19], %broadcast_in_dim3A_17 {strides = array<i32>} : memref<256x1xi32, #tpu.memory_space<vmem>>, vector<256x1xi32>,
    %broadcast_in_dim3A_21 = vector.shape_cast %reduce_max3A_16 : vector<256xf32> to vector<256x1xf32>
    %broadcast_in_dim3A_22 = vector.shape_cast %broadcast_in_dim3A_21 : vector<256x1xf32> to vector<256x1xf32>
    %broadcast_in_dim3A_23 = vector.broadcast %broadcast_in_dim3A_22 : vector<256x1xf32> to vector<256x128xf32>
    %swap3A_24 = arith.constant 0 : index
    %swap3A_25 = arith.constant 0 : index
    %swap3A_26 = vector.load %arg6[%swap3A_24, %swap3A_25] : memref<256x128xf32, #tpu.memory_space<vmem>>, vector<256x128xf32>
    tpu.vector_store %arg6[%swap3A_24, %swap3A_25], %broadcast_in_dim3A_23 {strides = array<i32>} : memref<256x128xf32, #tpu.memory_space<vmem>>, vector<256x128xf32>,
    %broadcast_in_dim3A_27 = vector.shape_cast %argmax3A : vector<256xi32> to vector<256x1xi32>
    %iota3A = tpu.iota {dimensions = array<i32: 1>} : vector<256x8xi32>
    %eq3A_28 = vector.broadcast %broadcast_in_dim3A_27 : vector<256x1xi32> to vector<256x8xi32>
    %eq3A_29 = arith.cmpi eq, %eq3A_28, %iota3A : vector<256x8xi32>
    %convert_element_type3A_30 = arith.extui %eq3A_29 : vector<256x8xi1> to vector<256x8xi32>
    %convert_element_type3A_31 = arith.sitofp %convert_element_type3A_30 : vector<256x8xi32> to vector<256x8xf32>
    %iota3A_32 = tpu.iota {dimensions = array<i32: 0>} : vector<256x256xi32>
    %iota3A_33 = tpu.iota {dimensions = array<i32: 1>} : vector<256x256xi32>
    %ge3A = arith.cmpi sge, %iota3A_32, %iota3A_33 : vector<256x256xi32>
    %convert_element_type3A_34 = arith.extui %ge3A : vector<256x256xi1> to vector<256x256xi32>
    %convert_element_type3A_35 = arith.sitofp %convert_element_type3A_34 : vector<256x256xi32> to vector<256x256xf32>
    %dot_general3A_36 = arith.constant dense<0.000000e+00> : vector<256x8xf32>
    %dot_general3A_37 = tpu.matmul %convert_element_type3A_35, %convert_element_type3A_31, %dot_general3A_36 {dimension_numbers = #tpu.dot_dimension_numbers<[1], [0], [0], [1], [0, 0, 1, 1], [], []>, transpose_lhs_hint = false} : vector<256x256xf32>, vector<256x8xf32>, vector<256x8xf32> -> vector<256x8xf32>
    %mul3A = arith.mulf %dot_general3A_37, %convert_element_type3A_31 : vector<256x8xf32>
    %reduce_sum3A_38 = arith.constant dense<0.000000e+00> : vector<256xf32>
    %reduce_sum3A_39 = vector.multi_reduction <add>, %mul3A, %reduce_sum3A_38 [1] : vector<256x8xf32> to vector<256xf32>
    %convert_element_type3A_40 = arith.fptosi %reduce_sum3A_39 : vector<256xf32> to vector<256xi32>
    %sub3A_41 = arith.constant 1 : i32
    %sub3A_42 = vector.broadcast %sub3A_41 : i32 to vector<256xi32>
    %sub3A_43 = arith.subi %convert_element_type3A_40, %sub3A_42 : vector<256xi32>
    %get3A_44 = arith.constant 0 : index
    %get3A_45 = arith.constant 0 : index
    %get3A_46 = vector.load %arg9[%get3A_44, %get3A_45] : memref<1x8xi32, #tpu.memory_space<vmem>>, vector<1x8xi32>
    %convert_element_type3A_47 = arith.extui %eq3A_29 : vector<256x8xi1> to vector<256x8xi32>
    %mul3A_48 = vector.broadcast %get3A_46 : vector<1x8xi32> to vector<256x8xi32>
    %mul3A_49 = arith.muli %mul3A_48, %convert_element_type3A_47 : vector<256x8xi32>
    %reduce_sum3A_50 = arith.constant dense<0> : vector<256xi32>
    %reduce_sum3A_51 = vector.multi_reduction <add>, %mul3A_49, %reduce_sum3A_50 [1] : vector<256x8xi32> to vector<256xi32>
    %add3A = arith.addi %reduce_sum3A_51, %sub3A_43 : vector<256xi32>
    %broadcast_in_dim3A_52 = vector.shape_cast %add3A : vector<256xi32> to vector<256x1xi32>
    %swap3A_53 = arith.constant 0 : index
    %swap3A_54 = arith.constant 0 : index
    %swap3A_55 = vector.load %arg5[%swap3A_53, %swap3A_54] : memref<256x1xi32, #tpu.memory_space<vmem>>, vector<256x1xi32>
    tpu.vector_store %arg5[%swap3A_53, %swap3A_54], %broadcast_in_dim3A_52 {strides = array<i32>} : memref<256x1xi32, #tpu.memory_space<vmem>>, vector<256x1xi32>,
    %get3A_56 = arith.constant 0 : index
    %get3A_57 = arith.constant 0 : index
    %get3A_58 = vector.load %arg9[%get3A_56, %get3A_57] : memref<1x8xi32, #tpu.memory_space<vmem>>, vector<1x8xi32>
    %convert_element_type3A_59 = arith.extui %eq3A_29 : vector<256x8xi1> to vector<256x8xi32>
    %reduce_sum3A_60 = arith.constant dense<0> : vector<8xi32>
    %reduce_sum3A_61 = vector.multi_reduction <add>, %convert_element_type3A_59, %reduce_sum3A_60 [0] : vector<256x8xi32> to vector<8xi32>
    %broadcast_in_dim3A_62 = vector.shape_cast %reduce_sum3A_61 : vector<8xi32> to vector<1x8xi32>
    %add3A_63 = arith.addi %get3A_58, %broadcast_in_dim3A_62 : vector<1x8xi32>
    %swap3A_64 = arith.constant 0 : index
    %swap3A_65 = arith.constant 0 : index
    %swap3A_66 = vector.load %arg9[%swap3A_64, %swap3A_65] : memref<1x8xi32, #tpu.memory_space<vmem>>, vector<1x8xi32>
    tpu.vector_store %arg9[%swap3A_64, %swap3A_65], %add3A_63 {strides = array<i32>} : memref<1x8xi32, #tpu.memory_space<vmem>>, vector<1x8xi32>,
    %jit3A = arith.constant 9.99999996E-13 : f32
    %max3A = vector.broadcast %jit3A : f32 to vector<256x8xf32>
    %max3A_67 = arith.maximumf %max3A, %div3A_12 : vector<256x8xf32>
    %log3A = math.log %max3A_67 : vector<256x8xf32>
    %mul3A_68 = arith.mulf %max3A_67, %log3A : vector<256x8xf32>
    %reduce_sum3A_69 = arith.constant dense<0.000000e+00> : vector<256xf32>
    %reduce_sum3A_70 = vector.multi_reduction <add>, %mul3A_68, %reduce_sum3A_69 [1] : vector<256x8xf32> to vector<256xf32>
    %neg3A = arith.constant 0.000000e+00 : f32
    %neg3A_71 = vector.broadcast %neg3A : f32 to vector<256xf32>
    %neg3A_72 = arith.subf %neg3A_71, %reduce_sum3A_70 : vector<256xf32>
    %get3A_73 = arith.constant 0 : index
    %get3A_74 = arith.constant 0 : index
    %get3A_75 = vector.load %arg8[%get3A_73, %get3A_74] : memref<1x1xf32, #tpu.memory_space<vmem>>, vector<1x1xf32>
    %reduce_sum3A_76 = vector.shape_cast %neg3A_72 : vector<256xf32> to vector<1x256xf32>
    %reduce_sum3A_77 = arith.constant dense<0.000000e+00> : vector<1xf32>
    %reduce_sum3A_78 = vector.multi_reduction <add>, %reduce_sum3A_76, %reduce_sum3A_77 [1] : vector<1x256xf32> to vector<1xf32>
    %reduce_sum3A_79 = vector.shape_cast %reduce_sum3A_78 : vector<1xf32> to vector<1x1xf32>
    %reduce_sum3A_80 = vector.extract %reduce_sum3A_79[0, 0] : f32 from vector<1x1xf32>
    %reshape3A = vector.broadcast %reduce_sum3A_80 : f32 to vector<1x1xf32>
    %mul3A_81 = arith.constant 1.22070313E-4 : f32
    %mul3A_82 = vector.broadcast %mul3A_81 : f32 to vector<1x1xf32>
    %mul3A_83 = arith.mulf %reshape3A, %mul3A_82 : vector<1x1xf32>
    %add3A_84 = arith.addf %get3A_75, %mul3A_83 : vector<1x1xf32>
    %swap3A_85 = arith.constant 0 : index
    %swap3A_86 = arith.constant 0 : index
    %swap3A_87 = vector.load %arg8[%swap3A_85, %swap3A_86] : memref<1x1xf32, #tpu.memory_space<vmem>>, vector<1x1xf32>
    tpu.vector_store %arg8[%swap3A_85, %swap3A_86], %add3A_84 {strides = array<i32>} : memref<1x1xf32, #tpu.memory_space<vmem>>, vector<1x1xf32>,
    %eq3A_88 = arith.constant 31 : i32
    %eq3A_89 = arith.cmpi eq, %arg0, %eq3A_88 : i32
    %convert_element_type3A_90 = arith.extui %eq3A_89 : i1 to i32
    %cond3A_91 = arith.constant 0 : i32
    %cond3A_92 = arith.cmpi ne, %convert_element_type3A_90, %cond3A_91 : i32
    scf.if %cond3A_92 {
      %get3A_93 = arith.constant 0 : index
      %get3A_94 = arith.constant 0 : index
      %get3A_95 = vector.load %arg9[%get3A_93, %get3A_94] : memref<1x8xi32, #tpu.memory_space<vmem>>, vector<1x8xi32>
      %convert_element_type3A_96 = arith.sitofp %get3A_95 : vector<1x8xi32> to vector<1x8xf32>
      %mul3A_97 = arith.constant 3.906250e-03 : f32
      %mul3A_98 = vector.broadcast %mul3A_97 : f32 to vector<1x8xf32>
      %mul3A_99 = arith.mulf %convert_element_type3A_96, %mul3A_98 : vector<1x8xf32>
      %ceil3A = math.ceil %mul3A_99 : vector<1x8xf32>
      %mul3A_100 = arith.constant 2.560000e+02 : f32
      %mul3A_101 = vector.broadcast %mul3A_100 : f32 to vector<1x8xf32>
      %mul3A_102 = arith.mulf %ceil3A, %mul3A_101 : vector<1x8xf32>
      %iota3A_103 = tpu.iota {dimensions = array<i32: 0>} : vector<8x8xi32>
      %iota3A_104 = tpu.iota {dimensions = array<i32: 1>} : vector<8x8xi32>
      %lt3A = arith.cmpi slt, %iota3A_103, %iota3A_104 : vector<8x8xi32>
      %convert_element_type3A_105 = arith.extui %lt3A : vector<8x8xi1> to vector<8x8xi32>
      %convert_element_type3A_106 = arith.sitofp %convert_element_type3A_105 : vector<8x8xi32> to vector<8x8xf32>
      %le3A = arith.cmpi sle, %iota3A_103, %iota3A_104 : vector<8x8xi32>
      %convert_element_type3A_107 = arith.extui %le3A : vector<8x8xi1> to vector<8x8xi32>
      %convert_element_type3A_108 = arith.sitofp %convert_element_type3A_107 : vector<8x8xi32> to vector<8x8xf32>
      %dot_general3A_109 = arith.constant dense<0.000000e+00> : vector<1x8xf32>
      %dot_general3A_110 = tpu.matmul %mul3A_102, %convert_element_type3A_106, %dot_general3A_109 {dimension_numbers = #tpu.dot_dimension_numbers<[1], [0], [0], [1], [0, 0, 1, 1], [], []>, precision = #tpu.contract_precision<fp32>, transpose_lhs_hint = false} : vector<1x8xf32>, vector<8x8xf32>, vector<1x8xf32> -> vector<1x8xf32>
      %dot_general3A_111 = arith.constant dense<0.000000e+00> : vector<1x8xf32>
      %dot_general3A_112 = tpu.matmul %mul3A_102, %convert_element_type3A_108, %dot_general3A_111 {dimension_numbers = #tpu.dot_dimension_numbers<[1], [0], [0], [1], [0, 0, 1, 1], [], []>, precision = #tpu.contract_precision<fp32>, transpose_lhs_hint = false} : vector<1x8xf32>, vector<8x8xf32>, vector<1x8xf32> -> vector<1x8xf32>
      %broadcast_in_dim3A_113 = arith.constant 1.024000e+04 : f32
      %broadcast_in_dim3A_114 = vector.broadcast %broadcast_in_dim3A_113 : f32 to vector<1x8xf32>
      %concatenate3A = tpu.concatenate %dot_general3A_110, %broadcast_in_dim3A_114, %dot_general3A_112, %broadcast_in_dim3A_114 in 1 : vector<1x8xf32>, vector<1x8xf32>, vector<1x8xf32>, vector<1x8xf32> -> vector<1x32xf32>
      %convert_element_type3A_115 = arith.fptosi %concatenate3A : vector<1x32xf32> to vector<1x32xi32>
      %swap3A_116 = arith.constant 0 : index
      %swap3A_117 = arith.constant 0 : index
      %swap3A_118 = vector.load %arg7[%swap3A_116, %swap3A_117] : memref<1x32xi32, #tpu.memory_space<vmem>>, vector<1x32xi32>
      tpu.vector_store %arg7[%swap3A_116, %swap3A_117], %convert_element_type3A_115 {strides = array<i32>} : memref<1x32xi32, #tpu.memory_space<vmem>>, vector<1x32xi32>,
    } else {
    }
    return
  }
  func.func @transform_0(%arg0: i32) -> (i32, i32) {
    %c0_i32 = arith.constant 0 : i32
    %c0_i32_0 = arith.constant 0 : i32
    return %arg0, %c0_i32 : i32, i32
  }
  func.func @transform_1(%arg0: i32) -> (i32, i32) {
    %c0_i32 = arith.constant 0 : i32
    %c0_i32_0 = arith.constant 0 : i32
    %c0_i32_1 = arith.constant 0 : i32
    return %c0_i32, %c0_i32_0 : i32, i32
  }
  func.func @transform_2(%arg0: i32) -> (i32, i32) {
    %c0_i32 = arith.constant 0 : i32
    %c0_i32_0 = arith.constant 0 : i32
    return %arg0, %c0_i32 : i32, i32
  }
  func.func @transform_3(%arg0: i32) -> (i32, i32) {
    %c0_i32 = arith.constant 0 : i32
    %c0_i32_0 = arith.constant 0 : i32
    return %arg0, %c0_i32 : i32, i32
  }
  func.func @transform_4(%arg0: i32) -> (i32, i32) {
    %c0_i32 = arith.constant 0 : i32
    %c0_i32_0 = arith.constant 0 : i32
    return %arg0, %c0_i32 : i32, i32
  }
  func.func @transform_5(%arg0: i32) -> (i32, i32) {
    %c0_i32 = arith.constant 0 : i32
    %c0_i32_0 = arith.constant 0 : i32
    return %arg0, %c0_i32 : i32, i32
  }
  func.func @transform_6(%arg0: i32) -> (i32, i32) {
    %c0_i32 = arith.constant 0 : i32
    %c0_i32_0 = arith.constant 0 : i32
    %c0_i32_1 = arith.constant 0 : i32
    return %c0_i32, %c0_i32_0 : i32, i32
  }
  func.func @transform_7(%arg0: i32) -> (i32, i32) {
    %c0_i32 = arith.constant 0 : i32
    %c0_i32_0 = arith.constant 0 : i32
    %c0_i32_1 = arith.constant 0 : i32
    return %c0_i32, %c0_i32_0 : i32, i32
  }
}

module attributes {stable_mosaic.version = 14 : i64} {
  func.func @_ffn_block(%arg0: i32, %arg1: memref<48xi32, #tpu.memory_space<smem>>, %arg2: memref<256x768xf32, #tpu.memory_space<vmem>>, %arg3: memref<256x128xf32, #tpu.memory_space<vmem>>, %arg4: memref<1x768x128xf32, #tpu.memory_space<vmem>>, %arg5: memref<1x768x128xf32, #tpu.memory_space<vmem>>, %arg6: memref<1x128x768xf32, #tpu.memory_space<vmem>>, %arg7: memref<256x768xf32, #tpu.memory_space<vmem>>) attributes {dimension_semantics = [#tpu.dimension_semantics<arbitrary>], iteration_bounds = array<i64: 40>, scalar_prefetch = 1 : i64, scratch_operands = 0 : i64, tpu.core_type = #tpu.core_type<tc>, window_params = [{transform_indices = @transform_0, window_bounds = array<i64: 256, 768>}, {transform_indices = @transform_1, window_bounds = array<i64: 256, 128>}, {transform_indices = @transform_2, window_bounds = array<i64: 1, 768, 128>}, {transform_indices = @transform_3, window_bounds = array<i64: 1, 768, 128>}, {transform_indices = @transform_4, window_bounds = array<i64: 1, 128, 768>}, {transform_indices = @transform_5, window_bounds = array<i64: 256, 768>}]} {
    %get3A = arith.constant 0 : index
    %get3A_0 = arith.constant 0 : index
    %get3A_1 = vector.load %arg2[%get3A, %get3A_0] : memref<256x768xf32, #tpu.memory_space<vmem>>, vector<256x768xf32>
    %convert_element_type3A = arith.truncf %get3A_1 : vector<256x768xf32> to vector<256x768xbf16>
    %get3A_2 = arith.constant 0 : index
    %get3A_3 = arith.constant 0 : index
    %get3A_4 = arith.constant 0 : index
    %get3A_5 = vector.load %arg4[%get3A_2, %get3A_3, %get3A_4] : memref<1x768x128xf32, #tpu.memory_space<vmem>>, vector<1x768x128xf32>
    %get3A_6 = vector.shape_cast %get3A_5 : vector<1x768x128xf32> to vector<768x128xf32>
    %convert_element_type3A_7 = arith.truncf %get3A_6 : vector<768x128xf32> to vector<768x128xbf16>
    %dot_general3A = arith.constant dense<0.000000e+00> : vector<256x128xf32>
    %dot_general3A_8 = tpu.matmul %convert_element_type3A, %convert_element_type3A_7, %dot_general3A {dimension_numbers = #tpu.dot_dimension_numbers<[1], [0], [0], [1], [0, 0, 1, 1], [], []>, transpose_lhs_hint = false} : vector<256x768xbf16>, vector<768x128xbf16>, vector<256x128xf32> -> vector<256x128xf32>
    %get3A_9 = arith.constant 0 : index
    %get3A_10 = arith.constant 0 : index
    %get3A_11 = arith.constant 0 : index
    %get3A_12 = vector.load %arg5[%get3A_9, %get3A_10, %get3A_11] : memref<1x768x128xf32, #tpu.memory_space<vmem>>, vector<1x768x128xf32>
    %get3A_13 = vector.shape_cast %get3A_12 : vector<1x768x128xf32> to vector<768x128xf32>
    %convert_element_type3A_14 = arith.truncf %get3A_13 : vector<768x128xf32> to vector<768x128xbf16>
    %dot_general3A_15 = arith.constant dense<0.000000e+00> : vector<256x128xf32>
    %dot_general3A_16 = tpu.matmul %convert_element_type3A, %convert_element_type3A_14, %dot_general3A_15 {dimension_numbers = #tpu.dot_dimension_numbers<[1], [0], [0], [1], [0, 0, 1, 1], [], []>, transpose_lhs_hint = false} : vector<256x768xbf16>, vector<768x128xbf16>, vector<256x128xf32> -> vector<256x128xf32>
    %logistic3A = arith.negf %dot_general3A_8 : vector<256x128xf32>
    %logistic3A_17 = math.exp %logistic3A : vector<256x128xf32>
    %logistic3A_18 = arith.constant 1.000000e+00 : f32
    %logistic3A_19 = vector.broadcast %logistic3A_18 : f32 to vector<256x128xf32>
    %logistic3A_20 = arith.addf %logistic3A_19, %logistic3A_17 : vector<256x128xf32>
    %logistic3A_21 = arith.divf %logistic3A_19, %logistic3A_20 : vector<256x128xf32>
    %mul3A = arith.mulf %dot_general3A_8, %logistic3A_21 : vector<256x128xf32>
    %mul3A_22 = arith.mulf %mul3A, %dot_general3A_16 : vector<256x128xf32>
    %get3A_23 = arith.constant 0 : index
    %get3A_24 = arith.constant 0 : index
    %get3A_25 = vector.load %arg3[%get3A_23, %get3A_24] : memref<256x128xf32, #tpu.memory_space<vmem>>, vector<256x1xf32>
    %mul3A_26 = vector.broadcast %get3A_25 : vector<256x1xf32> to vector<256x128xf32>
    %mul3A_27 = arith.mulf %mul3A_22, %mul3A_26 : vector<256x128xf32>
    %convert_element_type3A_28 = arith.truncf %mul3A_27 : vector<256x128xf32> to vector<256x128xbf16>
    %get3A_29 = arith.constant 0 : index
    %get3A_30 = arith.constant 0 : index
    %get3A_31 = arith.constant 0 : index
    %get3A_32 = vector.load %arg6[%get3A_29, %get3A_30, %get3A_31] : memref<1x128x768xf32, #tpu.memory_space<vmem>>, vector<1x128x768xf32>
    %get3A_33 = vector.shape_cast %get3A_32 : vector<1x128x768xf32> to vector<128x768xf32>
    %convert_element_type3A_34 = arith.truncf %get3A_33 : vector<128x768xf32> to vector<128x768xbf16>
    %dot_general3A_35 = arith.constant dense<0.000000e+00> : vector<256x768xf32>
    %dot_general3A_36 = tpu.matmul %convert_element_type3A_28, %convert_element_type3A_34, %dot_general3A_35 {dimension_numbers = #tpu.dot_dimension_numbers<[1], [0], [0], [1], [0, 0, 1, 1], [], []>, transpose_lhs_hint = false} : vector<256x128xbf16>, vector<128x768xbf16>, vector<256x768xf32> -> vector<256x768xf32>
    %swap3A = arith.constant 0 : index
    %swap3A_37 = arith.constant 0 : index
    %swap3A_38 = vector.load %arg7[%swap3A, %swap3A_37] : memref<256x768xf32, #tpu.memory_space<vmem>>, vector<256x768xf32>
    tpu.vector_store %arg7[%swap3A, %swap3A_37], %dot_general3A_36 {strides = array<i32>} : memref<256x768xf32, #tpu.memory_space<vmem>>, vector<256x768xf32>,
    return
  }
  func.func @transform_0(%arg0: i32, %arg1: memref<48xi32, #tpu.memory_space<smem>>) -> (i32, i32) {
    %c0_i32 = arith.constant 0 : i32
    %c0_i32_0 = arith.constant 0 : i32
    return %arg0, %c0_i32 : i32, i32
  }
  func.func @transform_1(%arg0: i32, %arg1: memref<48xi32, #tpu.memory_space<smem>>) -> (i32, i32) {
    %c0_i32 = arith.constant 0 : i32
    %c0_i32_0 = arith.constant 0 : i32
    return %arg0, %c0_i32 : i32, i32
  }
  func.func @transform_2(%arg0: i32, %arg1: memref<48xi32, #tpu.memory_space<smem>>) -> (i32, i32, i32) {
    %get3A = arith.index_cast %arg0 : i32 to index
    %get3A_0 = memref.load %arg1[%get3A] : memref<48xi32, #tpu.memory_space<smem>>
    %c0_i32 = arith.constant 0 : i32
    %c0_i32_1 = arith.constant 0 : i32
    %c0_i32_2 = arith.constant 0 : i32
    return %get3A_0, %c0_i32, %c0_i32_1 : i32, i32, i32
  }
  func.func @transform_3(%arg0: i32, %arg1: memref<48xi32, #tpu.memory_space<smem>>) -> (i32, i32, i32) {
    %get3A = arith.index_cast %arg0 : i32 to index
    %get3A_0 = memref.load %arg1[%get3A] : memref<48xi32, #tpu.memory_space<smem>>
    %c0_i32 = arith.constant 0 : i32
    %c0_i32_1 = arith.constant 0 : i32
    %c0_i32_2 = arith.constant 0 : i32
    return %get3A_0, %c0_i32, %c0_i32_1 : i32, i32, i32
  }
  func.func @transform_4(%arg0: i32, %arg1: memref<48xi32, #tpu.memory_space<smem>>) -> (i32, i32, i32) {
    %get3A = arith.index_cast %arg0 : i32 to index
    %get3A_0 = memref.load %arg1[%get3A] : memref<48xi32, #tpu.memory_space<smem>>
    %c0_i32 = arith.constant 0 : i32
    %c0_i32_1 = arith.constant 0 : i32
    %c0_i32_2 = arith.constant 0 : i32
    return %get3A_0, %c0_i32, %c0_i32_1 : i32, i32, i32
  }
  func.func @transform_5(%arg0: i32, %arg1: memref<48xi32, #tpu.memory_space<smem>>) -> (i32, i32) {
    %c0_i32 = arith.constant 0 : i32
    %c0_i32_0 = arith.constant 0 : i32
    return %arg0, %c0_i32 : i32, i32
  }
}

</mosaic_0001>

<sc_bundles>
// kernel: kernel.10.cloned.1.call-start
scs
__scs_entry_jumppad:
0x0: {  	(pc) =	sbr.rel $0x88, $3  }
0x1: {  	(tag) =	ssettag $0x0;
	lr =	simm.s32 $0x1  }
0x2: {  	[smem:$0x3F9C] =	sst lr;
	_ =	strace $0xD0000000  }
0x3: {  	_ = 	snop  }
0x4: {  	_ = 	snop  }
0x5: {  	_ = 	snop  }
0x6: {  	_ = 	snop  }
0x7: {  	_ = 	snop  }
__scs_overlays_trampoline_lowered:
0x8: {  	[smem:$0x3FAB] =	sst s0  }
0x9: {  	[smem:$0x3FAC] =	sst s1  }
0xa: {  	[smem:$0x3FAD] =	sst s2  }
0xb: {  	[smem:$0x3FAE] =	sst s3  }
0xc: {  	[smem:$0x3FAF] =	sst s4  }
0xd: {  	[smem:$0x3FB0] =	sst s5  }
0xe: {  	[smem:$0x3FB1] =	sst s6  }
0xf: {  	[smem:$0x3FB2] =	sst s7  }
0x10: {  	[smem:$0x3FB3] =	sst s8  }
0x11: {  	[smem:$0x3FB4] =	sst s9;
	s0 =	simm.s32 @!p0 $0x0  }
0x12: {  	s1 =	sld [smem:$0x3F9A];
	s0 =	simm.s32 @p0 $0x1  }
0x13: {  	[smem:$0x3FB5] =	sst s0;
	s0 =	simm.s32 @!p1 $0x0  }
0x14: {  	s2 =	sld [smem:$0x3F99];
	s0 =	simm.s32 @p1 $0x1  }
0x15: {  	[smem:$0x3FB6] =	sst s0;
	s0 =	simm.s32 @!p2 $0x0  }
0x16: {  	s3 =	sld [smem:$0x3FDB];
	s0 =	simm.s32 @p2 $0x1  }
0x17: {  	s4 =	simm.s32 $0x1BF5;
	[smem:$0x3FB8] =	sst s0  }
0x18: {  	s0 =	sld [smem:$0x3F9B];
	_ =	swait.ge [sflag:s4], $0x0  }
0x19: {  	s7 =	sld [smem:$0x3F9C]  }
0x1a: {  	s8 =	sadd.s32 $0xFFFFE003, lr  }
0x1b: {  	s9 =	sadd.s32 $0xFFFFFEF7, lr;
	s5 =	simm.s32 $0xFFFFFFFF;
	p2 =	slt.u32 s8, $0xFFFFF086  }
0x1c: {  	p1 =	slt.u32 s9, $0xF7A;
	s5 =	simm.s32 @!p2 $0x0  }
0x1d: {  	s5 =	simm.s32 @p1 $0x1;
	p0 =	seq.s32 s7, s2  }
0x1e: {  	s7 =	smul.u32 @!p0 $0xF7A, s2;
	p2 =	seq.s32 @!p0 s5, $0x0  }
0x1f: {  	s9 =	smul.u32 $0xF7A, s1;
	s8 =	simm.s32 @!p0 $0x1BF5;
	p2 =	por !p2, p0  }
0x20: {  	[sflag:s8] =	ssyncset.s32 @!p0 $0xFFFFF086;
	s6 =	sadd.s32 @!p0 s3, s7;
	s7 =	simm.s32 @!p0 $0x108  }
0x21: {  	s3 =	sadd.s32 s3, s9;
	s6 =	sadd.s32 @!p0 $0x88, s6;
	s7 =	simm.s32 @p2 $0x1082  }
0x22: {  	[simem:s7], [sflag:s8] =	dma.local @!p0 [hbm:s6], $0xF7A  }
0x23: {  	s9 =	sor.u32 $0xD0000000, s2;
	s6 =	simm.s32 $0x108;
	_ =	swait.ge @!p0 [sflag:s8], $0x0  }
0x24: {  	s3 =	sadd.s32 $0x88, s3;
	s6 =	simm.s32 @!p1 $0x1082;
	[sflag:s4] =	ssyncset.s32 $0xFFFFF086  }
0x25: {  	[simem:s6], [sflag:s4] =	dma.local [hbm:s3], $0xF7A  }
0x26: {  	[smem:$0x3F9C] =	sst s1;
	(tag) =	ssettag s2;
	_ =	strace s9  }
0x27: {  	s1 =	sld [smem:$0x3FAC]  }
0x28: {  	s2 =	sld [smem:$0x3FAD]  }
0x29: {  	s4 =	sld [smem:$0x3FAF]  }
0x2a: {  	p0 =	seq.s32 s5, $0x0;
	s5 =	sld [smem:$0x3FB0]  }
0x2b: {  	s6 =	sld [smem:$0x3FB1]  }
0x2c: {  	s7 =	sld [smem:$0x3FB2]  }
0x2d: {  	s3 =	simm.s32 $0x108;
	s8 =	sld [smem:$0x3FB3]  }
0x2e: {  	s3 =	simm.s32 @!p0 $0x1082;
	s9 =	sld [smem:$0x3FB4]  }
0x2f: {  	lr =	sadd.s32 s0, s3;
	s0 =	sld [smem:$0x3FAB]  }
0x30: {  	s3 =	sld [smem:$0x3FAE]  }
0x31: {  	[smem:$0x3FB7] =	sst s10  }
0x32: {  	s10 =	sld [smem:$0x3FB5];
	_ =	sdelay $0x3  }
0x33: {  	p0 =	seq.s32 s10, $0x1;
	s10 =	sld [smem:$0x3FB7];
	_ =	sdelay $0x3  }
0x34: {  	[smem:$0x3FB7] =	sst s10  }
0x35: {  	s10 =	sld [smem:$0x3FB6];
	_ =	sdelay $0x3  }
0x36: {  	p1 =	seq.s32 s10, $0x1;
	s10 =	sld [smem:$0x3FB7];
	_ =	sdelay $0x3  }
0x37: {  	[smem:$0x3FB7] =	sst s10  }
0x38: {  	s10 =	sld [smem:$0x3FB8]  }
0x39: {  	_ = 	snop;
	(pc) =	sbr.ind lr, $3  }
0x3a: {  	_ = 	snop  }
0x3b: {  	_ = 	snop  }
0x3c: {  	p2 =	seq.s32 s10, $0x1;
	s10 =	sld [smem:$0x3FB7]  }
0x3d: {  	_ =	shalt  }
0x3e: {  	_ =	shalt  }
0x3f: {  	_ =	shalt  }
0x40: {  	_ =	shalt  }
0x41: {  	_ =	shalt  }
0x42: {  	_ =	shalt  }
0x43: {  	_ =	shalt  }
0x44: {  	_ =	shalt  }
0x45: {  	_ =	shalt  }
0x46: {  	_ =	shalt  }
0x47: {  	_ =	shalt  }
0x48: {  	_ =	shalt  }
0x49: {  	_ =	shalt  }
0x4a: {  	_ =	shalt  }
0x4b: {  	_ =	shalt  }
0x4c: {  	_ =	shalt  }
0x4d: {  	_ =	shalt  }
0x4e: {  	_ =	shalt  }
0x4f: {  	_ =	shalt  }
0x50: {  	_ =	shalt  }
0x51: {  	_ =	shalt  }
0x52: {  	_ =	shalt  }
0x53: {  	_ =	shalt  }
0x54: {  	_ =	shalt  }
0x55: {  	_ =	shalt  }
0x56: {  	_ =	shalt  }
0x57: {  	_ =	shalt  }
0x58: {  	_ =	shalt  }
0x59: {  	_ =	shalt  }
0x5a: {  	_ =	shalt  }
0x5b: {  	_ =	shalt  }
0x5c: {  	_ =	shalt  }
0x5d: {  	_ =	shalt  }
0x5e: {  	_ =	shalt  }
0x5f: {  	_ =	shalt  }
0x60: {  	_ =	shalt  }
0x61: {  	_ =	shalt  }
0x62: {  	_ =	shalt  }
0x63: {  	_ =	shalt  }
0x64: {  	_ =	shalt  }
0x65: {  	_ =	shalt  }
0x66: {  	_ =	shalt  }
0x67: {  	_ =	shalt  }
0x68: {  	_ =	shalt  }
0x69: {  	_ =	shalt  }
0x6a: {  	_ =	shalt  }
0x6b: {  	_ =	shalt  }
0x6c: {  	_ =	shalt  }
0x6d: {  	_ =	shalt  }
0x6e: {  	_ =	shalt  }
0x6f: {  	_ =	shalt  }
0x70: {  	_ =	shalt  }
0x71: {  	_ =	shalt  }
0x72: {  	_ =	shalt  }
0x73: {  	_ =	shalt  }
0x74: {  	_ =	shalt  }
0x75: {  	_ =	shalt  }
0x76: {  	_ =	shalt  }
0x77: {  	_ =	shalt  }
0x78: {  	_ =	shalt  }
0x79: {  	_ =	shalt  }
0x7a: {  	_ =	shalt  }
0x7b: {  	_ =	shalt  }
0x7c: {  	_ =	shalt  }
0x7d: {  	_ =	shalt  }
0x7e: {  	_ =	shalt  }
0x7f: {  	_ =	shalt  }
0x80: {  	_ =	shalt  }
0x81: {  	_ =	shalt  }
0x82: {  	_ =	shalt  }
0x83: {  	_ =	shalt  }
0x84: {  	_ =	shalt  }
0x85: {  	_ =	shalt  }
0x86: {  	_ =	shalt  }
0x87: {  	_ =	shalt  }
.Lfunc_end0:
.L_simem_size_0:
called_computation.1_lowered:
.L_overlay_start_0:
0x88: {  	s2 =	sld [smem:$0x3FD9]  }
0x89: {  	s3 =	sld [smem:$0x3FFE];
	_ =	sdelay $0x1  }
0x8a: {  	s1 =	srdreg.scid  }
0x8b: {  	s0 =	sand.u32 $0x1, s1  }
0x8c: {  	s14 =	sshll.u32 s0, $0xA;
	s2 =	sadd.s32 s3, s2  }
0x8d: {  	s2 =	sadd.s32 s2, s14  }
0x8e: {  	[smem:$0x3FC3] =	sst s2  }
0x8f: {  	_ = 	snop  }
0x90: {  	s2 =	sld [smem:$0x3FD0];
	_ =	sdelay $0x2  }
0x91: {  	s15 =	simm.s32 $0xA;
	s4 =	simm.s32 $0x10  }
0x92: {  	[smem:s4], [sflag:s15] =	dma.local [hbm:s2], $0x1  }
0x93: {  	_ =	swait.eq [sflag:s15], $0x1  }
0x94: {  	[sflag:s15] =	ssyncset.done $0x0  }
0x95: {  	[sflag:s15] =	ssyncadd.s32 $0xFFFFFFFF  }
0x96: {  	s16 =	sld [smem:$0x10];
	(tm) =	ssettm $0x1  }
0x97: {  	s17 =	sld [smem:$0x3FFB];
	_ =	sdelay $0x3  }
0x98: {  	_ =	strace s17  }
0x99: {  	s3 =	sld [smem:$0x3FFC];
	_ =	sdelay $0x3  }
0x9a: {  	_ =	strace s3  }
0x9b: {  	s3 =	sld [smem:$0x3FFD];
	_ =	sdelay $0x3  }
0x9c: {  	_ =	strace s3  }
0x9d: {  	_ =	strace $0x8FFFFFFF  }
0x9e: {  	s18 =	sld [smem:$0x3FDB];
	_ =	sdelay $0x1  }
0x9f: {  	s19 =	simm.s32 $_scs_section_size  }
0xa0: {  	s5 =	simm.s32 $_size__tile_overlayer_lowered;
	s6 =	simm.s32 $_tile_overlayer_lowered  }
0xa1: {  	s22 =	simm.s32 $0x1BFF;
	s21 =	sshll.u32 s6, $0x1;
	s3 =	sadd.s32 s19, s18  }
0xa2: {  	s7 =	simm.s32 $0x0;
	s20 =	sshll.u32 s5, $0x1;
	s5 =	sadd.s32 s21, s3  }
0xa3: {  	[timem:s7], [sflag:s22] =	dma.local [hbm:s5], s20  }
0xa4: {  	_ =	swait.ge [sflag:s22], s20  }
0xa5: {  	s4 =	ssub.s32 $0x0, s20;
	[sflag:s22] =	ssyncset.done $0x0  }
0xa6: {  	[sflag:s22] =	ssyncadd.s32 s4;
	_ =	sdelay $0x1  }
0xa7: {  	s23 =	simm.s32 $0x1B8B  }
0xa8: {  	_ =	swait.ge [sflag:s23], $0x1  }
0xa9: {  	[sflag:s23] =	ssyncset.done $0x0  }
0xaa: {  	s25 =	simm.s32 $0x1B8E;
	s24 =	sld [smem:$0x3FFE];
	[sflag:s23] =	ssyncadd.s32 $0xFFFFFFFF  }
0xab: {  	s26 =	simm.s32 $execute0_lowered;
	[smem:$0x3FD2] =	sst s25  }
0xac: {  	s5 =	sshll.u32 s26, $0x1;
	_ =	strace $0x80000049;
	[dreg:$0x1] =	wrdreg $0xFFFFFFFF  }
0xad: {  	s28 =	simm.s32 $_size_execute0_lowered;
	s3 =	sadd.s32 s3, s5;
	[dreg:$0x0] =	wrdreg $0x0  }
0xae: {  	s5 =	sshll.u32 s28, $0x1;
	[dreg:$0x2] =	wrdreg s3  }
0xaf: {  	[dreg:$0x3] =	wrdreg s5  }
0xb0: {  	[dreg:$0x4] =	wrdreg $0xC0  }
0xb1: {  	_ =	task [dreg:s7], $0x5FFFF  }
0xb2: {  	[dreg:$0x1] =	wrdreg $0xFFFFFFFF  }
0xb3: {  	[dreg:$0x0] =	wrdreg $0x60  }
0xb4: {  	[dreg:$0x2] =	wrdreg s24  }
0xb5: {  	[dreg:$0x3] =	wrdreg s16  }
0xb6: {  	[dreg:$0x4] =	wrdreg $0x9  }
0xb7: {  	_ =	task.clear_ibuf [dreg:s7], $0x5FFFF;
	_ =	strace $0x90000049  }
0xb8: {  	s29 =	simm.s32 $0x9;
	_ =	strace $0x8000004B  }
0xb9: {  	_ =	swait.ge [sflag:s29], $0x1  }
0xba: {  	[sflag:s29] =	ssyncadd.s32 $0xFFFFFFFF  }
0xbb: {  	_ =	strace $0x9000004B  }
0xbc: {  	_ =	sfence  }
0xbd: {  	s30 =	sld [smem:$0x0];
	_ =	sdelay $0x2  }
0xbe: {  	s31 =	sshll.u32 s1, $0xD;
	s1 =	sshrl.u32 s1, $0x2  }
0xbf: {  	s3 =	sand.u32 $0x4000, s31;
	s1 =	sadd.s32 s1, s30  }
0xc0: {  	s0 =	sor.u32 s3, s0;
	s1 =	sshll.u32 s1, $0x11  }
0xc1: {  	s0 =	sor.u32 s1, s0  }
0xc2: {  	s0 =	sadd.s32 $0x8F2B, s0  }
0xc3: {  	[sflag:s0] =	ssyncadd.remote.s32 $0x1  }
0xc4: {  	_ =	sfence.sel $0xFFFF  }
0xc5: {  	[dreg:$0x0] =	wrdreg $0xFFFFFFFF;
	(pc) =	sbr.abs _section_cstart, $3  }
0xc6: {  	[dreg:$0x1] =	wrdreg $0xFFFFFFFF  }
0xc7: {  	_ =	task.clear_ibuf [dreg:s7], $0x2FFFF;
	_ =	strace $0x9FFFFFFF  }
0xc8: {  	(tm) =	ssettm $0x7FFFFFFF  }
0xc9: {  	_ =	shalt  }
tec
execute0_lowered:
.L_overlay_start_1:
0x0: {  	(tag) =	ssettag $0x1  }
0x1: {  	s0 =	rddreg [dreg:$0x0]  }
0x2: {  	s4 =	rddreg [dreg:$0x1]  }
0x3: {  	s2 =	srdreg.scid;
	s1 =	stileid.u32;
	s23 =	simm.s32 $0xC000  }
0x4: {  	s24 =	simm.s32 $0xC080;
	s25 =	simm.s32 $0xC100;
	s26 =	simm.s32 $0xC180  }
0x5: {  	s11 =	simm.s32 $0x2000;
	s12 =	simm.s32 $0x2800;
	s13 =	simm.s32 $0x3000  }
0x6: {  	s14 =	simm.s32 $0x3800;
	s15 =	simm.s32 $0x4000;
	s16 =	simm.s32 $0x4800  }
0x7: {  	s17 =	simm.s32 $0x5000;
	s28 =	simm.s32 $0xA000;
	s29 =	simm.s32 $0xA800  }
0x8: {  	s30 =	simm.s32 $0xB000;
	s5 =	sand.u32 $0x1, s2;
	s2 =	simm.s32 $0x0  }
0x9: {  	s31 =	simm.s32 $0xB800;
	s3 =	sshll.u32 s1, $0x6;
	[smem:$0x7FF] =	sst s2  }
0xa: {  	s7 =	sadd.s32 $0x21200, s0;
	_ =	strace $0x8000004A;
	[dreg:$0xb] =	wrdreg s23  }
0xb: {  	s6 =	sshll.u32 s5, $0x5;
	s5 =	ssub.s32 $0x2, s5;
	[dreg:$0xc] =	wrdreg s24  }
0xc: {  	s3 =	sor.u32 s6, s3;
	s22 =	sshrl.u32 s5, $0x1;
	[dreg:$0xd] =	wrdreg s25  }
0xd: {  	[dreg:$0xe] =	wrdreg s26;
	s23 =	simm.s32 $0x8000;
	s24 =	simm.s32 $0x8800  }
0xe: {  	s25 =	simm.s32 $0x9000;
	s6 =	sadd.s32 s7, s3;
	s8 =	sor.u32 $0x8, s3  }
0xf: {  	s19 =	sor.u32 $0x10, s3;
	s10 =	sor.u32 $0x18, s3;
	s3 =	smul.u32 $0x300, s3  }
0x10: {  	s26 =	simm.s32 $0x9800;
	s18 =	sadd.s32 s7, s8;
	s8 =	smul.u32 $0x300, s8  }
0x11: {  	[dreg:$0x3] =	wrdreg s6;
	s9 =	sadd.s32 s7, s19;
	s6 =	smul.u32 $0x300, s19  }
0x12: {  	s7 =	sadd.s32 s7, s10;
	s21 =	smul.u32 $0x300, s10;
	[dreg:$0x4] =	wrdreg s18  }
0x13: {  	s10 =	simm.s32 $0x1800;
	s19 =	simm.s32 $0x6000;
	[dreg:$0x5] =	wrdreg s9  }
0x14: {  	[dreg:$0x6] =	wrdreg s7;
	s3 =	sadd.s32 s4, s3;
	s7 =	simm.s32 $0x2  }
0x15: {  	s9 =	simm.s32 $0x1000;
	[dreg:$0x7] =	wrdreg s3;
	s20 =	sadd.s32 s4, s8  }
0x16: {  	s18 =	simm.s32 $0x5800;
	s6 =	sadd.s32 s4, s6;
	[dreg:$0x8] =	wrdreg s20  }
0x17: {  	s3 =	sadd.s32 $0x111600, s0;
	s4 =	sadd.s32 s4, s21;
	[dreg:$0x9] =	wrdreg s6  }
0x18: {  	v2 =	vlaneseq.u32;
	s21 =	simm.s32 $0x7000;
	[dreg:$0xa] =	wrdreg s4;
	s4 =	sadd.s32 $0x111700, s0  }
0x19: {  	vm0 =	vmmov $0xffff;
	v1 =	vshrl.u32 v2, $0x3;
	s6 =	ssub.s32 s5, s22;
	s5 =	sadd.s32 $0x111800, s0;
	s20 =	simm.s32 $0x6800  }
0x1a: {  	v0 =	vand.u32 $0x7, v2;
	v2 =	vor.u32 $0x8, v2;
	v1 =	vmul.u32 $0x8, v1;
	s22 =	simm.s32 $0x7800;
	s0 =	simm.s32 $0x1;
	s6 =	smax.u32 s6, $0x1  }
.LBB2_1:
0x1b: {  	s1 =	rddreg [dreg:$0x3]  }
0x1c: {  	s8 =	rddreg [dreg:$0xb]  }
0x1d: {  	[tilespmem:s8], [sflag:$0x2] =	stream.linear.gather [hbm4b:s1+s2], $0x40, $0x38;
	[tilespmem:$0xC200] =	vst v63  }
0x1e: {  	_ =	swait.ge [sflag:s7], $0x40  }
0x1f: {  	s1 =	rddreg [dreg:$0x4];
	[sflag:s7] =	ssyncset.done $0x0  }
0x20: {  	s8 =	rddreg [dreg:$0xc];
	[sflag:s7] =	ssyncadd.s32 $0xFFFFFFC0  }
0x21: {  	[tilespmem:s8], [sflag:$0x2] =	stream.linear.gather [hbm4b:s1+s2], $0x40, $0x38;
	[tilespmem:$0xC200] =	vst v63  }
0x22: {  	_ =	swait.ge [sflag:s7], $0x40  }
0x23: {  	s1 =	rddreg [dreg:$0x5];
	[sflag:s7] =	ssyncset.done $0x0  }
0x24: {  	s8 =	rddreg [dreg:$0xd];
	[sflag:s7] =	ssyncadd.s32 $0xFFFFFFC0  }
0x25: {  	[tilespmem:s8], [sflag:$0x2] =	stream.linear.gather [hbm4b:s1+s2], $0x40, $0x38;
	[tilespmem:$0xC200] =	vst v63  }
0x26: {  	_ =	swait.ge [sflag:s7], $0x40  }
0x27: {  	s1 =	rddreg [dreg:$0x6];
	[sflag:s7] =	ssyncset.done $0x0  }
0x28: {  	s8 =	rddreg [dreg:$0xe];
	[sflag:s7] =	ssyncadd.s32 $0xFFFFFFC0  }
0x29: {  	[tilespmem:s8], [sflag:$0x2] =	stream.linear.gather [hbm4b:s1+s2], $0x40, $0x38;
	[tilespmem:$0xC200] =	vst v63  }
0x2a: {  	_ =	swait.ge [sflag:s7], $0x40  }
0x2b: {  	[sflag:s7] =	ssyncset.done $0x0  }
0x2c: {  	[sflag:s7] =	ssyncadd.s32 $0xFFFFFFC0  }
0x2d: {  	v3 =	vld [tilespmem:$0xC000];
	_ =	sdelay $0x4  }
0x2e: {  	v4 =	vshrl.u32 v3, $0x3  }
0x2f: {  	v4 =	vmul.u32 $0x30, v4  }
0x30: {  	v3 =	vand.u32 $0x7, v3  }
0x31: {  	v3 =	vor.u32 v3, v4  }
0x32: {  	v4 =	vperm.xlane v3, v0;
	_ =	sdelay $0x1  }
0x33: {  	v4 =	vadd.s32 v1, v4;
	_ =	sdelay $0x3  }
0x34: {  	v3 =	vperm.xlane v3, v2  }
0x35: {  	[tilespmem:s2], [sflag:$0x1] =	stream.indirect_vreg.gather [hbm4b:s3+s2], $0x80, v4, vm0, $0xb8;
	[tilespmem:$0xC200] =	vst v63  }
0x36: {  	s8 =	simm.s32 $0x800;
	v3 =	vadd.s32 v1, v3  }
0x37: {  	[tilespmem:s8], [sflag:$0x1] =	stream.indirect_vreg.gather [hbm4b:s4+s2], $0x80, v4, vm0, $0xb8;
	[tilespmem:$0xC200] =	vst v63  }
0x38: {  	_ = 	snop  }
0x39: {  	[tilespmem:s9], [sflag:$0x1] =	stream.indirect_vreg.gather [hbm4b:s5+s2], $0x80, v4, vm0, $0xb8;
	[tilespmem:$0xC200] =	vst v63  }
0x3a: {  	_ = 	snop  }
0x3b: {  	[tilespmem:s10], [sflag:$0x1] =	stream.indirect_vreg.gather [hbm4b:s3+s2], $0x80, v3, vm0, $0xb8;
	[tilespmem:$0xC200] =	vst v63  }
0x3c: {  	_ = 	snop  }
0x3d: {  	[tilespmem:s11], [sflag:$0x1] =	stream.indirect_vreg.gather [hbm4b:s4+s2], $0x80, v3, vm0, $0xb8;
	[tilespmem:$0xC200] =	vst v63  }
0x3e: {  	_ = 	snop  }
0x3f: {  	[tilespmem:s12], [sflag:$0x1] =	stream.indirect_vreg.gather [hbm4b:s5+s2], $0x80, v3, vm0, $0xb8;
	[tilespmem:$0xC200] =	vst v63  }
0x40: {  	v3 =	vld [tilespmem:$0xC010];
	_ =	sdelay $0x4  }
0x41: {  	v49 =	vshrl.u32 v3, $0x3  }
0x42: {  	v4 =	vmul.u32 $0x30, v49  }
0x43: {  	v3 =	vand.u32 $0x7, v3  }
0x44: {  	v3 =	vor.u32 v3, v4  }
0x45: {  	v4 =	vperm.xlane v3, v0;
	_ =	sdelay $0x1  }
0x46: {  	v4 =	vadd.s32 v1, v4;
	_ =	sdelay $0x3  }
0x47: {  	v3 =	vperm.xlane v3, v2  }
0x48: {  	[tilespmem:s13], [sflag:$0x1] =	stream.indirect_vreg.gather [hbm4b:s3+s2], $0x80, v4, vm0, $0xb8;
	[tilespmem:$0xC200] =	vst v63  }
0x49: {  	v3 =	vadd.s32 v1, v3  }
0x4a: {  	[tilespmem:s14], [sflag:$0x1] =	stream.indirect_vreg.gather [hbm4b:s4+s2], $0x80, v4, vm0, $0xb8;
	[tilespmem:$0xC200] =	vst v63  }
0x4b: {  	_ = 	snop  }
0x4c: {  	[tilespmem:s15], [sflag:$0x1] =	stream.indirect_vreg.gather [hbm4b:s5+s2], $0x80, v4, vm0, $0xb8;
	[tilespmem:$0xC200] =	vst v63  }
0x4d: {  	_ = 	snop  }
0x4e: {  	[tilespmem:s16], [sflag:$0x1] =	stream.indirect_vreg.gather [hbm4b:s3+s2], $0x80, v3, vm0, $0xb8;
	[tilespmem:$0xC200] =	vst v63  }
0x4f: {  	_ = 	snop  }
0x50: {  	[tilespmem:s17], [sflag:$0x1] =	stream.indirect_vreg.gather [hbm4b:s4+s2], $0x80, v3, vm0, $0xb8;
	[tilespmem:$0xC200] =	vst v63  }
0x51: {  	_ = 	snop  }
0x52: {  	[tilespmem:s18], [sflag:$0x1] =	stream.indirect_vreg.gather [hbm4b:s5+s2], $0x80, v3, vm0, $0xb8;
	[tilespmem:$0xC200] =	vst v63  }
0x53: {  	v3 =	vld [tilespmem:$0xC020];
	_ =	sdelay $0x4  }
0x54: {  	v50 =	vshrl.u32 v3, $0x3  }
0x55: {  	v4 =	vmul.u32 $0x30, v50  }
0x56: {  	v3 =	vand.u32 $0x7, v3  }
0x57: {  	v3 =	vor.u32 v3, v4  }
0x58: {  	v4 =	vperm.xlane v3, v0;
	_ =	sdelay $0x1  }
0x59: {  	v4 =	vadd.s32 v1, v4;
	_ =	sdelay $0x3  }
0x5a: {  	v3 =	vperm.xlane v3, v2  }
0x5b: {  	[tilespmem:s19], [sflag:$0x1] =	stream.indirect_vreg.gather [hbm4b:s3+s2], $0x80, v4, vm0, $0xb8;
	[tilespmem:$0xC200] =	vst v63  }
0x5c: {  	v3 =	vadd.s32 v1, v3  }
0x5d: {  	[tilespmem:s20], [sflag:$0x1] =	stream.indirect_vreg.gather [hbm4b:s4+s2], $0x80, v4, vm0, $0xb8;
	[tilespmem:$0xC200] =	vst v63  }
0x5e: {  	_ = 	snop  }
0x5f: {  	[tilespmem:s21], [sflag:$0x1] =	stream.indirect_vreg.gather [hbm4b:s5+s2], $0x80, v4, vm0, $0xb8;
	[tilespmem:$0xC200] =	vst v63  }
0x60: {  	_ = 	snop  }
0x61: {  	[tilespmem:s22], [sflag:$0x1] =	stream.indirect_vreg.gather [hbm4b:s3+s2], $0x80, v3, vm0, $0xb8;
	[tilespmem:$0xC200] =	vst v63  }
0x62: {  	_ = 	snop  }
0x63: {  	[tilespmem:s23], [sflag:$0x1] =	stream.indirect_vreg.gather [hbm4b:s4+s2], $0x80, v3, vm0, $0xb8;
	[tilespmem:$0xC200] =	vst v63  }
0x64: {  	_ = 	snop  }
0x65: {  	[tilespmem:s24], [sflag:$0x1] =	stream.indirect_vreg.gather [hbm4b:s5+s2], $0x80, v3, vm0, $0xb8;
	[tilespmem:$0xC200] =	vst v63  }
0x66: {  	v3 =	vld [tilespmem:$0xC030];
	_ =	sdelay $0x4  }
0x67: {  	v51 =	vshrl.u32 v3, $0x3  }
0x68: {  	v4 =	vmul.u32 $0x30, v51  }
0x69: {  	v3 =	vand.u32 $0x7, v3  }
0x6a: {  	v3 =	vor.u32 v3, v4  }
0x6b: {  	v4 =	vperm.xlane v3, v0;
	_ =	sdelay $0x1  }
0x6c: {  	v4 =	vadd.s32 v1, v4;
	_ =	sdelay $0x3  }
0x6d: {  	v3 =	vperm.xlane v3, v2  }
0x6e: {  	[tilespmem:s25], [sflag:$0x1] =	stream.indirect_vreg.gather [hbm4b:s3+s2], $0x80, v4, vm0, $0xb8;
	[tilespmem:$0xC200] =	vst v63  }
0x6f: {  	v3 =	vadd.s32 v1, v3  }
0x70: {  	[tilespmem:s26], [sflag:$0x1] =	stream.indirect_vreg.gather [hbm4b:s4+s2], $0x80, v4, vm0, $0xb8;
	[tilespmem:$0xC200] =	vst v63  }
0x71: {  	_ = 	snop  }
0x72: {  	[tilespmem:s28], [sflag:$0x1] =	stream.indirect_vreg.gather [hbm4b:s5+s2], $0x80, v4, vm0, $0xb8;
	[tilespmem:$0xC200] =	vst v63  }
0x73: {  	_ = 	snop  }
0x74: {  	[tilespmem:s29], [sflag:$0x1] =	stream.indirect_vreg.gather [hbm4b:s3+s2], $0x80, v3, vm0, $0xb8;
	[tilespmem:$0xC200] =	vst v63  }
0x75: {  	_ = 	snop  }
0x76: {  	[tilespmem:s30], [sflag:$0x1] =	stream.indirect_vreg.gather [hbm4b:s4+s2], $0x80, v3, vm0, $0xb8;
	[tilespmem:$0xC200] =	vst v63  }
0x77: {  	_ = 	snop  }
0x78: {  	[tilespmem:s31], [sflag:$0x1] =	stream.indirect_vreg.gather [hbm4b:s5+s2], $0x80, v3, vm0, $0xb8;
	[tilespmem:$0xC200] =	vst v63  }
0x79: {  	_ =	swait.ge [sflag:s0], $0xC000  }
0x7a: {  	[sflag:s0] =	ssyncset.done $0x0  }
0x7b: {  	s1 =	rddreg [dreg:$0x7];
	[sflag:s0] =	ssyncadd.s32 $0xFFFF4000  }
0x7c: {  	[hbm4b:s1+s2] =	stream.linear.scatter [tilespmem:s2], [sflag:$0x2], $0xC000, $0x38;
	[tilespmem:$0xC200] =	vst v63  }
0x7d: {  	_ =	swait.ge [sflag:s7], $0xC000  }
0x7e: {  	[sflag:s7] =	ssyncset.done $0x0  }
0x7f: {  	[sflag:s7] =	ssyncadd.s32 $0xFFFF4000  }
0x80: {  	v3 =	vld [tilespmem:$0xC080];
	_ =	sdelay $0x4  }
0x81: {  	v52 =	vshrl.u32 v3, $0x3  }
0x82: {  	v4 =	vmul.u32 $0x30, v52  }
0x83: {  	v3 =	vand.u32 $0x7, v3  }
0x84: {  	v3 =	vor.u32 v3, v4  }
0x85: {  	v4 =	vperm.xlane v3, v0;
	_ =	sdelay $0x1  }
0x86: {  	v4 =	vadd.s32 v1, v4;
	_ =	sdelay $0x3  }
0x87: {  	v3 =	vperm.xlane v3, v2  }
0x88: {  	[tilespmem:s2], [sflag:$0x1] =	stream.indirect_vreg.gather [hbm4b:s3+s2], $0x80, v4, vm0, $0xb8;
	[tilespmem:$0xC200] =	vst v63  }
0x89: {  	v3 =	vadd.s32 v1, v3  }
0x8a: {  	[tilespmem:s8], [sflag:$0x1] =	stream.indirect_vreg.gather [hbm4b:s4+s2], $0x80, v4, vm0, $0xb8;
	[tilespmem:$0xC200] =	vst v63  }
0x8b: {  	_ = 	snop  }
0x8c: {  	[tilespmem:s9], [sflag:$0x1] =	stream.indirect_vreg.gather [hbm4b:s5+s2], $0x80, v4, vm0, $0xb8;
	[tilespmem:$0xC200] =	vst v63  }
0x8d: {  	_ = 	snop  }
0x8e: {  	[tilespmem:s10], [sflag:$0x1] =	stream.indirect_vreg.gather [hbm4b:s3+s2], $0x80, v3, vm0, $0xb8;
	[tilespmem:$0xC200] =	vst v63  }
0x8f: {  	_ = 	snop  }
0x90: {  	[tilespmem:s11], [sflag:$0x1] =	stream.indirect_vreg.gather [hbm4b:s4+s2], $0x80, v3, vm0, $0xb8;
	[tilespmem:$0xC200] =	vst v63  }
0x91: {  	_ = 	snop  }
0x92: {  	[tilespmem:s12], [sflag:$0x1] =	stream.indirect_vreg.gather [hbm4b:s5+s2], $0x80, v3, vm0, $0xb8;
	[tilespmem:$0xC200] =	vst v63  }
0x93: {  	v3 =	vld [tilespmem:$0xC090];
	_ =	sdelay $0x4  }
0x94: {  	v53 =	vshrl.u32 v3, $0x3  }
0x95: {  	v4 =	vmul.u32 $0x30, v53  }
0x96: {  	v3 =	vand.u32 $0x7, v3  }
0x97: {  	v3 =	vor.u32 v3, v4  }
0x98: {  	v4 =	vperm.xlane v3, v0;
	_ =	sdelay $0x1  }
0x99: {  	v4 =	vadd.s32 v1, v4;
	_ =	sdelay $0x3  }
0x9a: {  	v3 =	vperm.xlane v3, v2  }
0x9b: {  	[tilespmem:s13], [sflag:$0x1] =	stream.indirect_vreg.gather [hbm4b:s3+s2], $0x80, v4, vm0, $0xb8;
	[tilespmem:$0xC200] =	vst v63  }
0x9c: {  	v3 =	vadd.s32 v1, v3  }
0x9d: {  	[tilespmem:s14], [sflag:$0x1] =	stream.indirect_vreg.gather [hbm4b:s4+s2], $0x80, v4, vm0, $0xb8;
	[tilespmem:$0xC200] =	vst v63  }
0x9e: {  	_ = 	snop  }
0x9f: {  	[tilespmem:s15], [sflag:$0x1] =	stream.indirect_vreg.gather [hbm4b:s5+s2], $0x80, v4, vm0, $0xb8;
	[tilespmem:$0xC200] =	vst v63  }
0xa0: {  	_ = 	snop  }
0xa1: {  	[tilespmem:s16], [sflag:$0x1] =	stream.indirect_vreg.gather [hbm4b:s3+s2], $0x80, v3, vm0, $0xb8;
	[tilespmem:$0xC200] =	vst v63  }
0xa2: {  	_ = 	snop  }
0xa3: {  	[tilespmem:s17], [sflag:$0x1] =	stream.indirect_vreg.gather [hbm4b:s4+s2], $0x80, v3, vm0, $0xb8;
	[tilespmem:$0xC200] =	vst v63  }
0xa4: {  	_ = 	snop  }
0xa5: {  	[tilespmem:s18], [sflag:$0x1] =	stream.indirect_vreg.gather [hbm4b:s5+s2], $0x80, v3, vm0, $0xb8;
	[tilespmem:$0xC200] =	vst v63  }
0xa6: {  	v3 =	vld [tilespmem:$0xC0A0];
	_ =	sdelay $0x4  }
0xa7: {  	v54 =	vshrl.u32 v3, $0x3  }
0xa8: {  	v4 =	vmul.u32 $0x30, v54  }
0xa9: {  	v3 =	vand.u32 $0x7, v3  }
0xaa: {  	v3 =	vor.u32 v3, v4  }
0xab: {  	v4 =	vperm.xlane v3, v0;
	_ =	sdelay $0x1  }
0xac: {  	v4 =	vadd.s32 v1, v4;
	_ =	sdelay $0x3  }
0xad: {  	v3 =	vperm.xlane v3, v2  }
0xae: {  	[tilespmem:s19], [sflag:$0x1] =	stream.indirect_vreg.gather [hbm4b:s3+s2], $0x80, v4, vm0, $0xb8;
	[tilespmem:$0xC200] =	vst v63  }
0xaf: {  	v3 =	vadd.s32 v1, v3  }
0xb0: {  	[tilespmem:s20], [sflag:$0x1] =	stream.indirect_vreg.gather [hbm4b:s4+s2], $0x80, v4, vm0, $0xb8;
	[tilespmem:$0xC200] =	vst v63  }
0xb1: {  	_ = 	snop  }
0xb2: {  	[tilespmem:s21], [sflag:$0x1] =	stream.indirect_vreg.gather [hbm4b:s5+s2], $0x80, v4, vm0, $0xb8;
	[tilespmem:$0xC200] =	vst v63  }
0xb3: {  	_ = 	snop  }
0xb4: {  	[tilespmem:s22], [sflag:$0x1] =	stream.indirect_vreg.gather [hbm4b:s3+s2], $0x80, v3, vm0, $0xb8;
	[tilespmem:$0xC200] =	vst v63  }
0xb5: {  	_ = 	snop  }
0xb6: {  	[tilespmem:s23], [sflag:$0x1] =	stream.indirect_vreg.gather [hbm4b:s4+s2], $0x80, v3, vm0, $0xb8;
	[tilespmem:$0xC200] =	vst v63  }
0xb7: {  	_ = 	snop  }
0xb8: {  	[tilespmem:s24], [sflag:$0x1] =	stream.indirect_vreg.gather [hbm4b:s5+s2], $0x80, v3, vm0, $0xb8;
	[tilespmem:$0xC200] =	vst v63  }
0xb9: {  	v3 =	vld [tilespmem:$0xC0B0];
	_ =	sdelay $0x4  }
0xba: {  	v55 =	vshrl.u32 v3, $0x3  }
0xbb: {  	v4 =	vmul.u32 $0x30, v55  }
0xbc: {  	v3 =	vand.u32 $0x7, v3  }
0xbd: {  	v3 =	vor.u32 v3, v4  }
0xbe: {  	v4 =	vperm.xlane v3, v0;
	_ =	sdelay $0x1  }
0xbf: {  	v4 =	vadd.s32 v1, v4;
	_ =	sdelay $0x3  }
0xc0: {  	v3 =	vperm.xlane v3, v2  }
0xc1: {  	[tilespmem:s25], [sflag:$0x1] =	stream.indirect_vreg.gather [hbm4b:s3+s2], $0x80, v4, vm0, $0xb8;
	[tilespmem:$0xC200] =	vst v63  }
0xc2: {  	v3 =	vadd.s32 v1, v3  }
0xc3: {  	[tilespmem:s26], [sflag:$0x1] =	stream.indirect_vreg.gather [hbm4b:s4+s2], $0x80, v4, vm0, $0xb8;
	[tilespmem:$0xC200] =	vst v63  }
0xc4: {  	_ = 	snop  }
0xc5: {  	[tilespmem:s28], [sflag:$0x1] =	stream.indirect_vreg.gather [hbm4b:s5+s2], $0x80, v4, vm0, $0xb8;
	[tilespmem:$0xC200] =	vst v63  }
0xc6: {  	_ = 	snop  }
0xc7: {  	[tilespmem:s29], [sflag:$0x1] =	stream.indirect_vreg.gather [hbm4b:s3+s2], $0x80, v3, vm0, $0xb8;
	[tilespmem:$0xC200] =	vst v63  }
0xc8: {  	_ = 	snop  }
0xc9: {  	[tilespmem:s30], [sflag:$0x1] =	stream.indirect_vreg.gather [hbm4b:s4+s2], $0x80, v3, vm0, $0xb8;
	[tilespmem:$0xC200] =	vst v63  }
0xca: {  	_ = 	snop  }
0xcb: {  	[tilespmem:s31], [sflag:$0x1] =	stream.indirect_vreg.gather [hbm4b:s5+s2], $0x80, v3, vm0, $0xb8;
	[tilespmem:$0xC200] =	vst v63  }
0xcc: {  	_ =	swait.ge [sflag:s0], $0xC000  }
0xcd: {  	[sflag:s0] =	ssyncset.done $0x0  }
0xce: {  	s1 =	rddreg [dreg:$0x8];
	[sflag:s0] =	ssyncadd.s32 $0xFFFF4000  }
0xcf: {  	[hbm4b:s1+s2] =	stream.linear.scatter [tilespmem:s2], [sflag:$0x2], $0xC000, $0x38;
	[tilespmem:$0xC200] =	vst v63  }
0xd0: {  	_ =	swait.ge [sflag:s7], $0xC000  }
0xd1: {  	[sflag:s7] =	ssyncset.done $0x0  }
0xd2: {  	[sflag:s7] =	ssyncadd.s32 $0xFFFF4000  }
0xd3: {  	v3 =	vld [tilespmem:$0xC100];
	_ =	sdelay $0x4  }
0xd4: {  	v56 =	vshrl.u32 v3, $0x3  }
0xd5: {  	v4 =	vmul.u32 $0x30, v56  }
0xd6: {  	v3 =	vand.u32 $0x7, v3  }
0xd7: {  	v3 =	vor.u32 v3, v4  }
0xd8: {  	v4 =	vperm.xlane v3, v0;
	_ =	sdelay $0x1  }
0xd9: {  	v4 =	vadd.s32 v1, v4;
	_ =	sdelay $0x3  }
0xda: {  	v3 =	vperm.xlane v3, v2  }
0xdb: {  	[tilespmem:s2], [sflag:$0x1] =	stream.indirect_vreg.gather [hbm4b:s3+s2], $0x80, v4, vm0, $0xb8;
	[tilespmem:$0xC200] =	vst v63  }
0xdc: {  	v3 =	vadd.s32 v1, v3  }
0xdd: {  	[tilespmem:s8], [sflag:$0x1] =	stream.indirect_vreg.gather [hbm4b:s4+s2], $0x80, v4, vm0, $0xb8;
	[tilespmem:$0xC200] =	vst v63  }
0xde: {  	_ = 	snop  }
0xdf: {  	[tilespmem:s9], [sflag:$0x1] =	stream.indirect_vreg.gather [hbm4b:s5+s2], $0x80, v4, vm0, $0xb8;
	[tilespmem:$0xC200] =	vst v63  }
0xe0: {  	_ = 	snop  }
0xe1: {  	[tilespmem:s10], [sflag:$0x1] =	stream.indirect_vreg.gather [hbm4b:s3+s2], $0x80, v3, vm0, $0xb8;
	[tilespmem:$0xC200] =	vst v63  }
0xe2: {  	_ = 	snop  }
0xe3: {  	[tilespmem:s11], [sflag:$0x1] =	stream.indirect_vreg.gather [hbm4b:s4+s2], $0x80, v3, vm0, $0xb8;
	[tilespmem:$0xC200] =	vst v63  }
0xe4: {  	_ = 	snop  }
0xe5: {  	[tilespmem:s12], [sflag:$0x1] =	stream.indirect_vreg.gather [hbm4b:s5+s2], $0x80, v3, vm0, $0xb8;
	[tilespmem:$0xC200] =	vst v63  }
0xe6: {  	v3 =	vld [tilespmem:$0xC110];
	_ =	sdelay $0x4  }
0xe7: {  	v57 =	vshrl.u32 v3, $0x3  }
0xe8: {  	v4 =	vmul.u32 $0x30, v57  }
0xe9: {  	v3 =	vand.u32 $0x7, v3  }
0xea: {  	v3 =	vor.u32 v3, v4  }
0xeb: {  	v4 =	vperm.xlane v3, v0;
	_ =	sdelay $0x1  }
0xec: {  	v4 =	vadd.s32 v1, v4;
	_ =	sdelay $0x3  }
0xed: {  	v3 =	vperm.xlane v3, v2  }
0xee: {  	[tilespmem:s13], [sflag:$0x1] =	stream.indirect_vreg.gather [hbm4b:s3+s2], $0x80, v4, vm0, $0xb8;
	[tilespmem:$0xC200] =	vst v63  }
0xef: {  	v3 =	vadd.s32 v1, v3  }
0xf0: {  	[tilespmem:s14], [sflag:$0x1] =	stream.indirect_vreg.gather [hbm4b:s4+s2], $0x80, v4, vm0, $0xb8;
	[tilespmem:$0xC200] =	vst v63  }
0xf1: {  	_ = 	snop  }
0xf2: {  	[tilespmem:s15], [sflag:$0x1] =	stream.indirect_vreg.gather [hbm4b:s5+s2], $0x80, v4, vm0, $0xb8;
	[tilespmem:$0xC200] =	vst v63  }
0xf3: {  	_ = 	snop  }
0xf4: {  	[tilespmem:s16], [sflag:$0x1] =	stream.indirect_vreg.gather [hbm4b:s3+s2], $0x80, v3, vm0, $0xb8;
	[tilespmem:$0xC200] =	vst v63  }
0xf5: {  	_ = 	snop  }
0xf6: {  	[tilespmem:s17], [sflag:$0x1] =	stream.indirect_vreg.gather [hbm4b:s4+s2], $0x80, v3, vm0, $0xb8;
	[tilespmem:$0xC200] =	vst v63  }
0xf7: {  	_ = 	snop  }
0xf8: {  	[tilespmem:s18], [sflag:$0x1] =	stream.indirect_vreg.gather [hbm4b:s5+s2], $0x80, v3, vm0, $0xb8;
	[tilespmem:$0xC200] =	vst v63  }
0xf9: {  	v3 =	vld [tilespmem:$0xC120];
	_ =	sdelay $0x4  }
0xfa: {  	v58 =	vshrl.u32 v3, $0x3  }
0xfb: {  	v4 =	vmul.u32 $0x30, v58  }
0xfc: {  	v3 =	vand.u32 $0x7, v3  }
0xfd: {  	v3 =	vor.u32 v3, v4  }
0xfe: {  	v4 =	vperm.xlane v3, v0;
	_ =	sdelay $0x1  }
0xff: {  	v4 =	vadd.s32 v1, v4;
	_ =	sdelay $0x3  }
0x100: {  	v3 =	vperm.xlane v3, v2  }
0x101: {  	[tilespmem:s19], [sflag:$0x1] =	stream.indirect_vreg.gather [hbm4b:s3+s2], $0x80, v4, vm0, $0xb8;
	[tilespmem:$0xC200] =	vst v63  }
0x102: {  	v3 =	vadd.s32 v1, v3  }
0x103: {  	[tilespmem:s20], [sflag:$0x1] =	stream.indirect_vreg.gather [hbm4b:s4+s2], $0x80, v4, vm0, $0xb8;
	[tilespmem:$0xC200] =	vst v63  }
0x104: {  	_ = 	snop  }
0x105: {  	[tilespmem:s21], [sflag:$0x1] =	stream.indirect_vreg.gather [hbm4b:s5+s2], $0x80, v4, vm0, $0xb8;
	[tilespmem:$0xC200] =	vst v63  }
0x106: {  	_ = 	snop  }
0x107: {  	[tilespmem:s22], [sflag:$0x1] =	stream.indirect_vreg.gather [hbm4b:s3+s2], $0x80, v3, vm0, $0xb8;
	[tilespmem:$0xC200] =	vst v63  }
0x108: {  	_ = 	snop  }
0x109: {  	[tilespmem:s23], [sflag:$0x1] =	stream.indirect_vreg.gather [hbm4b:s4+s2], $0x80, v3, vm0, $0xb8;
	[tilespmem:$0xC200] =	vst v63  }
0x10a: {  	_ = 	snop  }
0x10b: {  	[tilespmem:s24], [sflag:$0x1] =	stream.indirect_vreg.gather [hbm4b:s5+s2], $0x80, v3, vm0, $0xb8;
	[tilespmem:$0xC200] =	vst v63  }
0x10c: {  	v3 =	vld [tilespmem:$0xC130];
	_ =	sdelay $0x4  }
0x10d: {  	v59 =	vshrl.u32 v3, $0x3  }
0x10e: {  	v4 =	vmul.u32 $0x30, v59  }
0x10f: {  	v3 =	vand.u32 $0x7, v3  }
0x110: {  	v3 =	vor.u32 v3, v4  }
0x111: {  	v4 =	vperm.xlane v3, v0;
	_ =	sdelay $0x1  }
0x112: {  	v4 =	vadd.s32 v1, v4;
	_ =	sdelay $0x3  }
0x113: {  	v3 =	vperm.xlane v3, v2  }
0x114: {  	[tilespmem:s25], [sflag:$0x1] =	stream.indirect_vreg.gather [hbm4b:s3+s2], $0x80, v4, vm0, $0xb8;
	[tilespmem:$0xC200] =	vst v63  }
0x115: {  	v3 =	vadd.s32 v1, v3  }
0x116: {  	[tilespmem:s26], [sflag:$0x1] =	stream.indirect_vreg.gather [hbm4b:s4+s2], $0x80, v4, vm0, $0xb8;
	[tilespmem:$0xC200] =	vst v63  }
0x117: {  	_ = 	snop  }
0x118: {  	[tilespmem:s28], [sflag:$0x1] =	stream.indirect_vreg.gather [hbm4b:s5+s2], $0x80, v4, vm0, $0xb8;
	[tilespmem:$0xC200] =	vst v63  }
0x119: {  	_ = 	snop  }
0x11a: {  	[tilespmem:s29], [sflag:$0x1] =	stream.indirect_vreg.gather [hbm4b:s3+s2], $0x80, v3, vm0, $0xb8;
	[tilespmem:$0xC200] =	vst v63  }
0x11b: {  	_ = 	snop  }
0x11c: {  	[tilespmem:s30], [sflag:$0x1] =	stream.indirect_vreg.gather [hbm4b:s4+s2], $0x80, v3, vm0, $0xb8;
	[tilespmem:$0xC200] =	vst v63  }
0x11d: {  	_ = 	snop  }
0x11e: {  	[tilespmem:s31], [sflag:$0x1] =	stream.indirect_vreg.gather [hbm4b:s5+s2], $0x80, v3, vm0, $0xb8;
	[tilespmem:$0xC200] =	vst v63  }
0x11f: {  	_ =	swait.ge [sflag:s0], $0xC000  }
0x120: {  	[sflag:s0] =	ssyncset.done $0x0  }
0x121: {  	s1 =	rddreg [dreg:$0x9];
	[sflag:s0] =	ssyncadd.s32 $0xFFFF4000  }
0x122: {  	[hbm4b:s1+s2] =	stream.linear.scatter [tilespmem:s2], [sflag:$0x2], $0xC000, $0x38;
	[tilespmem:$0xC200] =	vst v63  }
0x123: {  	_ =	swait.ge [sflag:s7], $0xC000  }
0x124: {  	[sflag:s7] =	ssyncset.done $0x0  }
0x125: {  	[sflag:s7] =	ssyncadd.s32 $0xFFFF4000  }
0x126: {  	v3 =	vld [tilespmem:$0xC180];
	_ =	sdelay $0x4  }
0x127: {  	v60 =	vshrl.u32 v3, $0x3  }
0x128: {  	v4 =	vmul.u32 $0x30, v60  }
0x129: {  	v3 =	vand.u32 $0x7, v3  }
0x12a: {  	v3 =	vor.u32 v3, v4  }
0x12b: {  	v4 =	vperm.xlane v3, v0;
	_ =	sdelay $0x1  }
0x12c: {  	v4 =	vadd.s32 v1, v4;
	_ =	sdelay $0x3  }
0x12d: {  	v3 =	vperm.xlane v3, v2  }
0x12e: {  	[tilespmem:s2], [sflag:$0x1] =	stream.indirect_vreg.gather [hbm4b:s3+s2], $0x80, v4, vm0, $0xb8;
	[tilespmem:$0xC200] =	vst v63  }
0x12f: {  	v3 =	vadd.s32 v1, v3  }
0x130: {  	[tilespmem:s8], [sflag:$0x1] =	stream.indirect_vreg.gather [hbm4b:s4+s2], $0x80, v4, vm0, $0xb8;
	[tilespmem:$0xC200] =	vst v63  }
0x131: {  	_ = 	snop  }
0x132: {  	[tilespmem:s9], [sflag:$0x1] =	stream.indirect_vreg.gather [hbm4b:s5+s2], $0x80, v4, vm0, $0xb8;
	[tilespmem:$0xC200] =	vst v63  }
0x133: {  	_ = 	snop  }
0x134: {  	[tilespmem:s10], [sflag:$0x1] =	stream.indirect_vreg.gather [hbm4b:s3+s2], $0x80, v3, vm0, $0xb8;
	[tilespmem:$0xC200] =	vst v63  }
0x135: {  	_ = 	snop  }
0x136: {  	[tilespmem:s11], [sflag:$0x1] =	stream.indirect_vreg.gather [hbm4b:s4+s2], $0x80, v3, vm0, $0xb8;
	[tilespmem:$0xC200] =	vst v63  }
0x137: {  	_ = 	snop  }
0x138: {  	[tilespmem:s12], [sflag:$0x1] =	stream.indirect_vreg.gather [hbm4b:s5+s2], $0x80, v3, vm0, $0xb8;
	[tilespmem:$0xC200] =	vst v63  }
0x139: {  	v3 =	vld [tilespmem:$0xC190];
	_ =	sdelay $0x4  }
0x13a: {  	v61 =	vshrl.u32 v3, $0x3  }
0x13b: {  	v4 =	vmul.u32 $0x30, v61  }
0x13c: {  	v3 =	vand.u32 $0x7, v3  }
0x13d: {  	v3 =	vor.u32 v3, v4  }
0x13e: {  	v4 =	vperm.xlane v3, v0;
	_ =	sdelay $0x1  }
0x13f: {  	v4 =	vadd.s32 v1, v4;
	_ =	sdelay $0x3  }
0x140: {  	v3 =	vperm.xlane v3, v2  }
0x141: {  	[tilespmem:s13], [sflag:$0x1] =	stream.indirect_vreg.gather [hbm4b:s3+s2], $0x80, v4, vm0, $0xb8;
	[tilespmem:$0xC200] =	vst v63  }
0x142: {  	v3 =	vadd.s32 v1, v3  }
0x143: {  	[tilespmem:s14], [sflag:$0x1] =	stream.indirect_vreg.gather [hbm4b:s4+s2], $0x80, v4, vm0, $0xb8;
	[tilespmem:$0xC200] =	vst v63  }
0x144: {  	_ = 	snop  }
0x145: {  	[tilespmem:s15], [sflag:$0x1] =	stream.indirect_vreg.gather [hbm4b:s5+s2], $0x80, v4, vm0, $0xb8;
	[tilespmem:$0xC200] =	vst v63  }
0x146: {  	_ = 	snop  }
0x147: {  	[tilespmem:s16], [sflag:$0x1] =	stream.indirect_vreg.gather [hbm4b:s3+s2], $0x80, v3, vm0, $0xb8;
	[tilespmem:$0xC200] =	vst v63  }
0x148: {  	_ = 	snop  }
0x149: {  	[tilespmem:s17], [sflag:$0x1] =	stream.indirect_vreg.gather [hbm4b:s4+s2], $0x80, v3, vm0, $0xb8;
	[tilespmem:$0xC200] =	vst v63  }
0x14a: {  	_ = 	snop  }
0x14b: {  	[tilespmem:s18], [sflag:$0x1] =	stream.indirect_vreg.gather [hbm4b:s5+s2], $0x80, v3, vm0, $0xb8;
	[tilespmem:$0xC200] =	vst v63  }
0x14c: {  	v3 =	vld [tilespmem:$0xC1A0];
	_ =	sdelay $0x4  }
0x14d: {  	v62 =	vshrl.u32 v3, $0x3  }
0x14e: {  	v4 =	vmul.u32 $0x30, v62  }
0x14f: {  	v3 =	vand.u32 $0x7, v3  }
0x150: {  	v3 =	vor.u32 v3, v4  }
0x151: {  	v4 =	vperm.xlane v3, v0;
	_ =	sdelay $0x1  }
0x152: {  	v4 =	vadd.s32 v1, v4;
	_ =	sdelay $0x3  }
0x153: {  	v3 =	vperm.xlane v3, v2  }
0x154: {  	[tilespmem:s19], [sflag:$0x1] =	stream.indirect_vreg.gather [hbm4b:s3+s2], $0x80, v4, vm0, $0xb8;
	[tilespmem:$0xC200] =	vst v63  }
0x155: {  	v3 =	vadd.s32 v1, v3  }
0x156: {  	[tilespmem:s20], [sflag:$0x1] =	stream.indirect_vreg.gather [hbm4b:s4+s2], $0x80, v4, vm0, $0xb8;
	[tilespmem:$0xC200] =	vst v63  }
0x157: {  	_ = 	snop  }
0x158: {  	[tilespmem:s21], [sflag:$0x1] =	stream.indirect_vreg.gather [hbm4b:s5+s2], $0x80, v4, vm0, $0xb8;
	[tilespmem:$0xC200] =	vst v63  }
0x159: {  	_ = 	snop  }
0x15a: {  	[tilespmem:s22], [sflag:$0x1] =	stream.indirect_vreg.gather [hbm4b:s3+s2], $0x80, v3, vm0, $0xb8;
	[tilespmem:$0xC200] =	vst v63  }
0x15b: {  	_ = 	snop  }
0x15c: {  	[tilespmem:s23], [sflag:$0x1] =	stream.indirect_vreg.gather [hbm4b:s4+s2], $0x80, v3, vm0, $0xb8;
	[tilespmem:$0xC200] =	vst v63  }
0x15d: {  	_ = 	snop  }
0x15e: {  	[tilespmem:s24], [sflag:$0x1] =	stream.indirect_vreg.gather [hbm4b:s5+s2], $0x80, v3, vm0, $0xb8;
	[tilespmem:$0xC200] =	vst v63  }
0x15f: {  	v3 =	vld [tilespmem:$0xC1B0];
	_ =	sdelay $0x4  }
0x160: {  	v63 =	vshrl.u32 v3, $0x3  }
0x161: {  	v4 =	vmul.u32 $0x30, v63  }
0x162: {  	v3 =	vand.u32 $0x7, v3  }
0x163: {  	v3 =	vor.u32 v3, v4  }
0x164: {  	v4 =	vperm.xlane v3, v0;
	_ =	sdelay $0x1  }
0x165: {  	v4 =	vadd.s32 v1, v4;
	_ =	sdelay $0x3  }
0x166: {  	v3 =	vperm.xlane v3, v2  }
0x167: {  	[tilespmem:s25], [sflag:$0x1] =	stream.indirect_vreg.gather [hbm4b:s3+s2], $0x80, v4, vm0, $0xb8;
	[tilespmem:$0xC200] =	vst v63  }
0x168: {  	v3 =	vadd.s32 v1, v3  }
0x169: {  	[tilespmem:s26], [sflag:$0x1] =	stream.indirect_vreg.gather [hbm4b:s4+s2], $0x80, v4, vm0, $0xb8;
	[tilespmem:$0xC200] =	vst v63  }
0x16a: {  	_ = 	snop  }
0x16b: {  	[tilespmem:s28], [sflag:$0x1] =	stream.indirect_vreg.gather [hbm4b:s5+s2], $0x80, v4, vm0, $0xb8;
	[tilespmem:$0xC200] =	vst v63  }
0x16c: {  	_ = 	snop  }
0x16d: {  	[tilespmem:s29], [sflag:$0x1] =	stream.indirect_vreg.gather [hbm4b:s3+s2], $0x80, v3, vm0, $0xb8;
	[tilespmem:$0xC200] =	vst v63  }
0x16e: {  	_ = 	snop  }
0x16f: {  	[tilespmem:s30], [sflag:$0x1] =	stream.indirect_vreg.gather [hbm4b:s4+s2], $0x80, v3, vm0, $0xb8;
	[tilespmem:$0xC200] =	vst v63  }
0x170: {  	_ = 	snop  }
0x171: {  	[tilespmem:s31], [sflag:$0x1] =	stream.indirect_vreg.gather [hbm4b:s5+s2], $0x80, v3, vm0, $0xb8;
	[tilespmem:$0xC200] =	vst v63  }
0x172: {  	_ =	swait.ge [sflag:s0], $0xC000  }
0x173: {  	p0 =	sne.s32 s6, $0x1;
	[sflag:s0] =	ssyncset.done $0x0  }
.Ltmp0:
0x174: {  	s8 =	rddreg [dreg:$0xa];
	[sflag:s0] =	ssyncadd.s32 $0xFFFF4000;
	(pc) =	sbr.rel @p0 .LBB2_1-.Ltmp0, $4  }
0x175: {  	[hbm4b:s8+s2] =	stream.linear.scatter [tilespmem:s2], [sflag:$0x2], $0xC000, $0x38;
	[tilespmem:$0xC200] =	vst v63  }
0x176: {  	_ =	swait.ge [sflag:s7], $0xC000  }
0x177: {  	[sflag:s7] =	ssyncset.done $0x0  }
0x178: {  	s6 =	sadd.s32 $0xFFFFFFFF, s6;
	[sflag:s7] =	ssyncadd.s32 $0xFFFF4000  }
0x179: {  	_ =	sfence.sel $0x180000  }
0x17a: {  	[bflag:$0x0] =	sbarrier.arrive $0xFFFF  }
0x17b: {  	_ =	strace $0x9000004A  }
0x17c: {  	s0 =	stileid.u32;
	[bflag:$0x2] =	sbarrier.arrive $0xFFFF  }
0x17d: {  	p0 =	sne.s32 s0, $0x0;
	s0 =	rddreg [dreg:$0x2]  }
0x17e: {  	s0 =	sadd.s32 @!p0 $0x100000, s0  }
0x17f: {  	[sflag:s0] =	ssyncadd.tile.s32 @!p0 $0x1;
	_ =	shalt  }
.Lfunc_end2:
_tile_overlayer_lowered:
.L_overlay_start_2:
0x180: {  	(tag) =	ssettag $0x2  }
0x181: {  	s0 =	rddreg [dreg:$0x0];
	s2 =	stileid.u32  }
0x182: {  	s1 =	rddreg [dreg:$0x1];
	p0 =	sne.s32 s2, $0x0  }
0x183: {  	s3 =	rddreg [dreg:$0x2];
	[bflag:$0x3] =	sbarrier.arrive $0xFFFF;
	s2 =	simm.s32 @!p0 $0x1C02  }
0x184: {  	[timem:s3], [sflag:s2] =	dma.local @!p0 [hbm:s0], s1  }
0x185: {  	s0 =	simm.s32 @!p0 $0x2  }
0x186: {  	_ =	swait.ge @!p0 [sflag:s0], s1  }
0x187: {  	s1 =	ssub.s32 @!p0 $0x0, s1;
	[sflag:s0] =	ssyncset.done @!p0 $0x0  }
0x188: {  	[sflag:s0] =	ssyncadd.s32 @!p0 s1  }
0x189: {  	[bflag:$0x3] =	sbarrier.arrive $0xFFFF  }
0x18a: {  	_ =	shalt  }

// kernel: kernel.7.cloned.1.call-start
scs
__scs_entry_jumppad:
0x0: {  	(pc) =	sbr.rel $0x88, $3  }
0x1: {  	(tag) =	ssettag $0x0;
	lr =	simm.s32 $0x1  }
0x2: {  	[smem:$0x3F9C] =	sst lr;
	_ =	strace $0xD0000000  }
0x3: {  	_ = 	snop  }
0x4: {  	_ = 	snop  }
0x5: {  	_ = 	snop  }
0x6: {  	_ = 	snop  }
0x7: {  	_ = 	snop  }
__scs_overlays_trampoline_lowered:
0x8: {  	[smem:$0x3FAB] =	sst s0  }
0x9: {  	[smem:$0x3FAC] =	sst s1  }
0xa: {  	[smem:$0x3FAD] =	sst s2  }
0xb: {  	[smem:$0x3FAE] =	sst s3  }
0xc: {  	[smem:$0x3FAF] =	sst s4  }
0xd: {  	[smem:$0x3FB0] =	sst s5  }
0xe: {  	[smem:$0x3FB1] =	sst s6  }
0xf: {  	[smem:$0x3FB2] =	sst s7  }
0x10: {  	[smem:$0x3FB3] =	sst s8  }
0x11: {  	[smem:$0x3FB4] =	sst s9;
	s0 =	simm.s32 @!p0 $0x0  }
0x12: {  	s1 =	sld [smem:$0x3F9A];
	s0 =	simm.s32 @p0 $0x1  }
0x13: {  	[smem:$0x3FB5] =	sst s0;
	s0 =	simm.s32 @!p1 $0x0  }
0x14: {  	s2 =	sld [smem:$0x3F99];
	s0 =	simm.s32 @p1 $0x1  }
0x15: {  	[smem:$0x3FB6] =	sst s0;
	s0 =	simm.s32 @!p2 $0x0  }
0x16: {  	s3 =	sld [smem:$0x3FDB];
	s0 =	simm.s32 @p2 $0x1  }
0x17: {  	s4 =	simm.s32 $0x1BF5;
	[smem:$0x3FB8] =	sst s0  }
0x18: {  	s0 =	sld [smem:$0x3F9B];
	_ =	swait.ge [sflag:s4], $0x0  }
0x19: {  	s7 =	sld [smem:$0x3F9C]  }
0x1a: {  	s8 =	sadd.s32 $0xFFFFE003, lr  }
0x1b: {  	s9 =	sadd.s32 $0xFFFFFEF7, lr;
	s5 =	simm.s32 $0xFFFFFFFF;
	p2 =	slt.u32 s8, $0xFFFFF086  }
0x1c: {  	p1 =	slt.u32 s9, $0xF7A;
	s5 =	simm.s32 @!p2 $0x0  }
0x1d: {  	s5 =	simm.s32 @p1 $0x1;
	p0 =	seq.s32 s7, s2  }
0x1e: {  	s7 =	smul.u32 @!p0 $0xF7A, s2;
	p2 =	seq.s32 @!p0 s5, $0x0  }
0x1f: {  	s9 =	smul.u32 $0xF7A, s1;
	s8 =	simm.s32 @!p0 $0x1BF5;
	p2 =	por !p2, p0  }
0x20: {  	[sflag:s8] =	ssyncset.s32 @!p0 $0xFFFFF086;
	s6 =	sadd.s32 @!p0 s3, s7;
	s7 =	simm.s32 @!p0 $0x108  }
0x21: {  	s3 =	sadd.s32 s3, s9;
	s6 =	sadd.s32 @!p0 $0x88, s6;
	s7 =	simm.s32 @p2 $0x1082  }
0x22: {  	[simem:s7], [sflag:s8] =	dma.local @!p0 [hbm:s6], $0xF7A  }
0x23: {  	s9 =	sor.u32 $0xD0000000, s2;
	s6 =	simm.s32 $0x108;
	_ =	swait.ge @!p0 [sflag:s8], $0x0  }
0x24: {  	s3 =	sadd.s32 $0x88, s3;
	s6 =	simm.s32 @!p1 $0x1082;
	[sflag:s4] =	ssyncset.s32 $0xFFFFF086  }
0x25: {  	[simem:s6], [sflag:s4] =	dma.local [hbm:s3], $0xF7A  }
0x26: {  	[smem:$0x3F9C] =	sst s1;
	(tag) =	ssettag s2;
	_ =	strace s9  }
0x27: {  	s1 =	sld [smem:$0x3FAC]  }
0x28: {  	s2 =	sld [smem:$0x3FAD]  }
0x29: {  	s4 =	sld [smem:$0x3FAF]  }
0x2a: {  	p0 =	seq.s32 s5, $0x0;
	s5 =	sld [smem:$0x3FB0]  }
0x2b: {  	s6 =	sld [smem:$0x3FB1]  }
0x2c: {  	s7 =	sld [smem:$0x3FB2]  }
0x2d: {  	s3 =	simm.s32 $0x108;
	s8 =	sld [smem:$0x3FB3]  }
0x2e: {  	s3 =	simm.s32 @!p0 $0x1082;
	s9 =	sld [smem:$0x3FB4]  }
0x2f: {  	lr =	sadd.s32 s0, s3;
	s0 =	sld [smem:$0x3FAB]  }
0x30: {  	s3 =	sld [smem:$0x3FAE]  }
0x31: {  	[smem:$0x3FB7] =	sst s10  }
0x32: {  	s10 =	sld [smem:$0x3FB5];
	_ =	sdelay $0x3  }
0x33: {  	p0 =	seq.s32 s10, $0x1;
	s10 =	sld [smem:$0x3FB7];
	_ =	sdelay $0x3  }
0x34: {  	[smem:$0x3FB7] =	sst s10  }
0x35: {  	s10 =	sld [smem:$0x3FB6];
	_ =	sdelay $0x3  }
0x36: {  	p1 =	seq.s32 s10, $0x1;
	s10 =	sld [smem:$0x3FB7];
	_ =	sdelay $0x3  }
0x37: {  	[smem:$0x3FB7] =	sst s10  }
0x38: {  	s10 =	sld [smem:$0x3FB8]  }
0x39: {  	_ = 	snop;
	(pc) =	sbr.ind lr, $3  }
0x3a: {  	_ = 	snop  }
0x3b: {  	_ = 	snop  }
0x3c: {  	p2 =	seq.s32 s10, $0x1;
	s10 =	sld [smem:$0x3FB7]  }
0x3d: {  	_ =	shalt  }
0x3e: {  	_ =	shalt  }
0x3f: {  	_ =	shalt  }
0x40: {  	_ =	shalt  }
0x41: {  	_ =	shalt  }
0x42: {  	_ =	shalt  }
0x43: {  	_ =	shalt  }
0x44: {  	_ =	shalt  }
0x45: {  	_ =	shalt  }
0x46: {  	_ =	shalt  }
0x47: {  	_ =	shalt  }
0x48: {  	_ =	shalt  }
0x49: {  	_ =	shalt  }
0x4a: {  	_ =	shalt  }
0x4b: {  	_ =	shalt  }
0x4c: {  	_ =	shalt  }
0x4d: {  	_ =	shalt  }
0x4e: {  	_ =	shalt  }
0x4f: {  	_ =	shalt  }
0x50: {  	_ =	shalt  }
0x51: {  	_ =	shalt  }
0x52: {  	_ =	shalt  }
0x53: {  	_ =	shalt  }
0x54: {  	_ =	shalt  }
0x55: {  	_ =	shalt  }
0x56: {  	_ =	shalt  }
0x57: {  	_ =	shalt  }
0x58: {  	_ =	shalt  }
0x59: {  	_ =	shalt  }
0x5a: {  	_ =	shalt  }
0x5b: {  	_ =	shalt  }
0x5c: {  	_ =	shalt  }
0x5d: {  	_ =	shalt  }
0x5e: {  	_ =	shalt  }
0x5f: {  	_ =	shalt  }
0x60: {  	_ =	shalt  }
0x61: {  	_ =	shalt  }
0x62: {  	_ =	shalt  }
0x63: {  	_ =	shalt  }
0x64: {  	_ =	shalt  }
0x65: {  	_ =	shalt  }
0x66: {  	_ =	shalt  }
0x67: {  	_ =	shalt  }
0x68: {  	_ =	shalt  }
0x69: {  	_ =	shalt  }
0x6a: {  	_ =	shalt  }
0x6b: {  	_ =	shalt  }
0x6c: {  	_ =	shalt  }
0x6d: {  	_ =	shalt  }
0x6e: {  	_ =	shalt  }
0x6f: {  	_ =	shalt  }
0x70: {  	_ =	shalt  }
0x71: {  	_ =	shalt  }
0x72: {  	_ =	shalt  }
0x73: {  	_ =	shalt  }
0x74: {  	_ =	shalt  }
0x75: {  	_ =	shalt  }
0x76: {  	_ =	shalt  }
0x77: {  	_ =	shalt  }
0x78: {  	_ =	shalt  }
0x79: {  	_ =	shalt  }
0x7a: {  	_ =	shalt  }
0x7b: {  	_ =	shalt  }
0x7c: {  	_ =	shalt  }
0x7d: {  	_ =	shalt  }
0x7e: {  	_ =	shalt  }
0x7f: {  	_ =	shalt  }
0x80: {  	_ =	shalt  }
0x81: {  	_ =	shalt  }
0x82: {  	_ =	shalt  }
0x83: {  	_ =	shalt  }
0x84: {  	_ =	shalt  }
0x85: {  	_ =	shalt  }
0x86: {  	_ =	shalt  }
0x87: {  	_ =	shalt  }
.Lfunc_end0:
.L_simem_size_0:
called_computation_lowered:
.L_overlay_start_0:
0x88: {  	s2 =	sld [smem:$0x3FD9]  }
0x89: {  	s3 =	sld [smem:$0x3FFE];
	_ =	sdelay $0x1  }
0x8a: {  	s1 =	srdreg.scid  }
0x8b: {  	s0 =	sand.u32 $0x1, s1  }
0x8c: {  	s14 =	sshll.u32 s0, $0xA;
	s2 =	sadd.s32 s3, s2  }
0x8d: {  	s2 =	sadd.s32 s2, s14  }
0x8e: {  	[smem:$0x3FC3] =	sst s2  }
0x8f: {  	_ = 	snop  }
0x90: {  	s2 =	sld [smem:$0x3FD0];
	_ =	sdelay $0x2  }
0x91: {  	s4 =	simm.s32 $0xA;
	s5 =	simm.s32 $0x10;
	s15 =	sld [smem:$0x3FC9]  }
0x92: {  	[smem:s5], [sflag:s4] =	dma.local [hbm:s2], $0x1  }
0x93: {  	_ =	swait.eq [sflag:s4], $0x1  }
0x94: {  	[sflag:s4] =	ssyncset.done $0x0  }
0x95: {  	[sflag:s4] =	ssyncadd.s32 $0xFFFFFFFF  }
0x96: {  	s16 =	sld [smem:$0x10];
	(tm) =	ssettm $0x1  }
0x97: {  	s17 =	sld [smem:$0x3FFB];
	_ =	sdelay $0x3  }
0x98: {  	_ =	strace s17  }
0x99: {  	s4 =	sld [smem:$0x3FFC];
	_ =	sdelay $0x3  }
0x9a: {  	_ =	strace s4  }
0x9b: {  	s4 =	sld [smem:$0x3FFD];
	_ =	sdelay $0x3  }
0x9c: {  	_ =	strace s4  }
0x9d: {  	_ =	strace $0x8FFFFFFF  }
0x9e: {  	s18 =	sld [smem:$0x3FDB];
	_ =	sdelay $0x1  }
0x9f: {  	s19 =	simm.s32 $_scs_section_size  }
0xa0: {  	s6 =	simm.s32 $_size__tile_overlayer_lowered;
	s7 =	simm.s32 $_tile_overlayer_lowered  }
0xa1: {  	s22 =	simm.s32 $0x1BFF;
	s21 =	sshll.u32 s7, $0x1;
	s4 =	sadd.s32 s19, s18  }
0xa2: {  	s8 =	simm.s32 $0x0;
	s20 =	sshll.u32 s6, $0x1;
	s6 =	sadd.s32 s21, s4  }
0xa3: {  	[timem:s8], [sflag:s22] =	dma.local [hbm:s6], s20  }
0xa4: {  	_ =	swait.ge [sflag:s22], s20  }
0xa5: {  	s5 =	ssub.s32 $0x0, s20;
	[sflag:s22] =	ssyncset.done $0x0  }
0xa6: {  	[sflag:s22] =	ssyncadd.s32 s5;
	_ =	sdelay $0x1  }
0xa7: {  	s23 =	simm.s32 $0x1B8B  }
0xa8: {  	_ =	swait.ge [sflag:s23], $0x1  }
0xa9: {  	[sflag:s23] =	ssyncset.done $0x0  }
0xaa: {  	s25 =	simm.s32 $0x1B8E;
	s24 =	sld [smem:$0x3FFE];
	[sflag:s23] =	ssyncadd.s32 $0xFFFFFFFF  }
0xab: {  	s26 =	simm.s32 $execute0_lowered;
	[smem:$0x3FD2] =	sst s25  }
0xac: {  	s6 =	sshll.u32 s26, $0x1;
	_ =	strace $0x80000046;
	[dreg:$0x1] =	wrdreg $0xFFFFFFFF  }
0xad: {  	s28 =	simm.s32 $_size_execute0_lowered;
	s4 =	sadd.s32 s4, s6;
	[dreg:$0x0] =	wrdreg $0x0  }
0xae: {  	s6 =	sshll.u32 s28, $0x1;
	[dreg:$0x2] =	wrdreg s4  }
0xaf: {  	[dreg:$0x3] =	wrdreg s6  }
0xb0: {  	[dreg:$0x4] =	wrdreg $0xC0  }
0xb1: {  	_ =	task [dreg:s8], $0x5FFFF  }
0xb2: {  	[dreg:$0x1] =	wrdreg $0xFFFFFFFF  }
0xb3: {  	[dreg:$0x0] =	wrdreg $0x60  }
0xb4: {  	[dreg:$0x2] =	wrdreg s15  }
0xb5: {  	[dreg:$0x3] =	wrdreg s24  }
0xb6: {  	[dreg:$0x4] =	wrdreg s16  }
0xb7: {  	[dreg:$0x5] =	wrdreg $0x9  }
0xb8: {  	_ =	task.clear_ibuf [dreg:s8], $0x6FFFF;
	_ =	strace $0x90000046  }
0xb9: {  	s29 =	simm.s32 $0x9;
	_ =	strace $0x80000048  }
0xba: {  	_ =	swait.ge [sflag:s29], $0x1  }
0xbb: {  	[sflag:s29] =	ssyncadd.s32 $0xFFFFFFFF  }
0xbc: {  	_ =	strace $0x90000048  }
0xbd: {  	_ =	sfence  }
0xbe: {  	s30 =	sld [smem:$0x0];
	_ =	sdelay $0x2  }
0xbf: {  	s31 =	sshll.u32 s1, $0xD;
	s1 =	sshrl.u32 s1, $0x2  }
0xc0: {  	s3 =	sand.u32 $0x4000, s31;
	s1 =	sadd.s32 s1, s30  }
0xc1: {  	s0 =	sor.u32 s3, s0;
	s1 =	sshll.u32 s1, $0x11  }
0xc2: {  	s0 =	sor.u32 s1, s0  }
0xc3: {  	s0 =	sadd.s32 $0x8F2B, s0  }
0xc4: {  	[sflag:s0] =	ssyncadd.remote.s32 $0x1  }
0xc5: {  	_ =	sfence.sel $0xFFFF  }
0xc6: {  	[dreg:$0x0] =	wrdreg $0xFFFFFFFF;
	(pc) =	sbr.abs _section_cstart, $3  }
0xc7: {  	[dreg:$0x1] =	wrdreg $0xFFFFFFFF  }
0xc8: {  	_ =	task.clear_ibuf [dreg:s8], $0x2FFFF;
	_ =	strace $0x9FFFFFFF  }
0xc9: {  	(tm) =	ssettm $0x7FFFFFFF  }
tec
execute0_lowered:
.L_overlay_start_1:
0x0: {  	(tag) =	ssettag $0x1  }
0x1: {  	s0 =	rddreg [dreg:$0x0];
	s1 =	srdreg.scid  }
0x2: {  	s2 =	rddreg [dreg:$0x1];
	s3 =	stileid.u32;
	s31 =	simm.s32 $0xC000  }
0x3: {  	s1 =	sand.u32 $0x1, s1;
	s4 =	sshll.u32 s3, $0x9;
	s3 =	simm.s32 $0x0  }
0x4: {  	s15 =	sadd.s32 $0x21200, s2;
	s18 =	sadd.s32 $0x1200, s2;
	s5 =	sshll.u32 s1, $0x8  }
0x5: {  	[smem:$0x7FF] =	sst s3;
	s1 =	ssub.s32 $0x2, s1;
	s4 =	sor.u32 s5, s4  }
0x6: {  	_ =	strace $0x80000047;
	s21 =	sshrl.u32 s1, $0x1;
	s6 =	sshrl.u32 s4, $0x3  }
0x7: {  	s8 =	sor.u32 $0x40, s4;
	s9 =	sor.u32 $0x80, s4;
	s12 =	sor.u32 $0xC0, s4  }
0x8: {  	s4 =	sshll.u32 s4, $0x4;
	s1 =	ssub.s32 s1, s21;
	s7 =	sadd.s32 s15, s6  }
0x9: {  	s16 =	sshrl.u32 s8, $0x3;
	s11 =	sshrl.u32 s9, $0x3;
	s13 =	sshrl.u32 s12, $0x3  }
0xa: {  	s6 =	smul.u32 $0x300, s6;
	s4 =	sadd.s32 s18, s4;
	[dreg:$0x4] =	wrdreg s7  }
0xb: {  	s23 =	sshll.u32 s8, $0x4;
	s10 =	sadd.s32 s15, s16;
	[dreg:$0x9] =	wrdreg s4  }
0xc: {  	s25 =	sshll.u32 s9, $0x4;
	s17 =	sadd.s32 s15, s11;
	[dreg:$0x5] =	wrdreg s10  }
0xd: {  	s29 =	sshll.u32 s12, $0x4;
	s5 =	sadd.s32 s15, s13;
	[dreg:$0x6] =	wrdreg s17  }
0xe: {  	s9 =	simm.s32 $0x2;
	s28 =	sadd.s32 s18, s25;
	[dreg:$0x7] =	wrdreg s5  }
0xf: {  	s20 =	smul.u32 $0x300, s16;
	s30 =	sadd.s32 s18, s29;
	[dreg:$0xd] =	wrdreg s28  }
0x10: {  	s24 =	smul.u32 $0x300, s11;
	s19 =	sadd.s32 s0, s6;
	[dreg:$0xf] =	wrdreg s30  }
0x11: {  	s4 =	sadd.s32 $0x21600, s2;
	s5 =	sadd.s32 s18, s23;
	[dreg:$0x8] =	wrdreg s19  }
0x12: {  	s26 =	smul.u32 $0x300, s13;
	s22 =	sadd.s32 s0, s20;
	[dreg:$0xb] =	wrdreg s5  }
0x13: {  	v2 =	vlaneseq.u32;
	s7 =	smax.u32 s1, $0x1;
	s6 =	sadd.s32 s0, s24;
	[dreg:$0xa] =	wrdreg s22  }
0x14: {  	vm0 =	vmmov $0xffff;
	v1 =	vshrl.u32 v2, $0x3;
	s5 =	sadd.s32 $0x21700, s2;
	s0 =	sadd.s32 s0, s26;
	[dreg:$0xc] =	wrdreg s6  }
0x15: {  	v0 =	vand.u32 $0x7, v2;
	v2 =	vor.u32 $0x8, v2;
	v1 =	vmul.u32 $0x8, v1;
	s6 =	sadd.s32 $0x21800, s2;
	[dreg:$0xe] =	wrdreg s0;
	s2 =	simm.s32 $0x1  }
.LBB2_1:
0x16: {  	s15 =	rddreg [dreg:$0x4];
	s17 =	simm.s32 $0xE000  }
0x17: {  	[tilespmem:s17], [sflag:$0x2] =	stream.linear.gather [hbm4b:s15+s3], $0x40, $0x38;
	[tilespmem:$0xE200] =	vst v63  }
0x18: {  	_ =	swait.ge [sflag:s9], $0x40  }
0x19: {  	[sflag:s9] =	ssyncset.done $0x0  }
0x1a: {  	s0 =	simm.s32 $0xE080;
	s13 =	rddreg [dreg:$0x5];
	[sflag:s9] =	ssyncadd.s32 $0xFFFFFFC0  }
0x1b: {  	[tilespmem:s0], [sflag:$0x2] =	stream.linear.gather [hbm4b:s13+s3], $0x40, $0x38;
	[tilespmem:$0xE200] =	vst v63  }
0x1c: {  	_ =	swait.ge [sflag:s9], $0x40  }
0x1d: {  	[sflag:s9] =	ssyncset.done $0x0  }
0x1e: {  	s16 =	simm.s32 $0xE100;
	s14 =	rddreg [dreg:$0x6];
	[sflag:s9] =	ssyncadd.s32 $0xFFFFFFC0  }
0x1f: {  	[tilespmem:s16], [sflag:$0x2] =	stream.linear.gather [hbm4b:s14+s3], $0x40, $0x38;
	[tilespmem:$0xE200] =	vst v63  }
0x20: {  	_ =	swait.ge [sflag:s9], $0x40  }
0x21: {  	[sflag:s9] =	ssyncset.done $0x0  }
0x22: {  	s19 =	simm.s32 $0xE180;
	s18 =	rddreg [dreg:$0x7];
	[sflag:s9] =	ssyncadd.s32 $0xFFFFFFC0  }
0x23: {  	[tilespmem:s19], [sflag:$0x2] =	stream.linear.gather [hbm4b:s18+s3], $0x40, $0x38;
	[tilespmem:$0xE200] =	vst v63  }
0x24: {  	_ =	swait.ge [sflag:s9], $0x40  }
0x25: {  	[sflag:s9] =	ssyncset.done $0x0  }
0x26: {  	s20 =	rddreg [dreg:$0x8];
	[sflag:s9] =	ssyncadd.s32 $0xFFFFFFC0  }
0x27: {  	[tilespmem:s3], [sflag:$0x2] =	stream.linear.gather [hbm4b:s20+s3], $0xC000, $0x38;
	[tilespmem:$0xE200] =	vst v63  }
0x28: {  	_ =	swait.ge [sflag:s9], $0xC000  }
0x29: {  	[sflag:s9] =	ssyncset.done $0x0  }
0x2a: {  	s21 =	rddreg [dreg:$0x9];
	[sflag:s9] =	ssyncadd.s32 $0xFFFF4000  }
0x2b: {  	[tilespmem:s31], [sflag:$0x2] =	stream.linear.gather [hbm4b:s21+s3], $0x2000, $0x38;
	[tilespmem:$0xE200] =	vst v63  }
0x2c: {  	_ =	swait.ge [sflag:s9], $0x2000  }
0x2d: {  	[sflag:s9] =	ssyncset.done $0x0  }
0x2e: {  	[sflag:s9] =	ssyncadd.s32 $0xFFFFE000  }
0x2f: {  	v3 =	vld [tilespmem:$0xE000];
	_ =	sdelay $0x4  }
0x30: {  	v4 =	vshrl.u32 v3, $0x3  }
0x31: {  	v4 =	vmul.u32 $0x30, v4  }
0x32: {  	v3 =	vand.u32 $0x7, v3  }
0x33: {  	v3 =	vor.u32 v3, v4  }
0x34: {  	v4 =	vperm.xlane v3, v0;
	_ =	sdelay $0x1  }
0x35: {  	v4 =	vadd.s32 v1, v4;
	_ =	sdelay $0x3  }
0x36: {  	v3 =	vperm.xlane v3, v2  }
0x37: {  	[hbm4b:s4+s3] =	stream.indirect_vreg.scatter [tilespmem:s3], [sflag:$0x1], $0x80, v4, vm0, $0xb8;
	[tilespmem:$0xE200] =	vst v63  }
0x38: {  	s22 =	simm.s32 $0x800;
	v3 =	vadd.s32 v1, v3  }
0x39: {  	[hbm4b:s5+s3] =	stream.indirect_vreg.scatter [tilespmem:s22], [sflag:$0x1], $0x80, v4, vm0, $0xb8;
	[tilespmem:$0xE200] =	vst v63  }
0x3a: {  	s23 =	simm.s32 $0x1000  }
0x3b: {  	[hbm4b:s6+s3] =	stream.indirect_vreg.scatter [tilespmem:s23], [sflag:$0x1], $0x80, v4, vm0, $0xb8;
	[tilespmem:$0xE200] =	vst v63  }
0x3c: {  	s24 =	simm.s32 $0x1800  }
0x3d: {  	[hbm4b:s4+s3] =	stream.indirect_vreg.scatter [tilespmem:s24], [sflag:$0x1], $0x80, v3, vm0, $0xb8;
	[tilespmem:$0xE200] =	vst v63  }
0x3e: {  	s25 =	simm.s32 $0x2000  }
0x3f: {  	[hbm4b:s5+s3] =	stream.indirect_vreg.scatter [tilespmem:s25], [sflag:$0x1], $0x80, v3, vm0, $0xb8;
	[tilespmem:$0xE200] =	vst v63  }
0x40: {  	s26 =	simm.s32 $0x2800  }
0x41: {  	[hbm4b:s6+s3] =	stream.indirect_vreg.scatter [tilespmem:s26], [sflag:$0x1], $0x80, v3, vm0, $0xb8;
	[tilespmem:$0xE200] =	vst v63  }
0x42: {  	v3 =	vld [tilespmem:$0xE010];
	_ =	sdelay $0x4  }
0x43: {  	v49 =	vshrl.u32 v3, $0x3  }
0x44: {  	v4 =	vmul.u32 $0x30, v49  }
0x45: {  	v3 =	vand.u32 $0x7, v3  }
0x46: {  	v3 =	vor.u32 v3, v4  }
0x47: {  	v4 =	vperm.xlane v3, v0;
	_ =	sdelay $0x1  }
0x48: {  	v4 =	vadd.s32 v1, v4;
	_ =	sdelay $0x3  }
0x49: {  	s28 =	simm.s32 $0x3000;
	v3 =	vperm.xlane v3, v2  }
0x4a: {  	[hbm4b:s4+s3] =	stream.indirect_vreg.scatter [tilespmem:s28], [sflag:$0x1], $0x80, v4, vm0, $0xb8;
	[tilespmem:$0xE200] =	vst v63  }
0x4b: {  	s29 =	simm.s32 $0x3800;
	v3 =	vadd.s32 v1, v3  }
0x4c: {  	[hbm4b:s5+s3] =	stream.indirect_vreg.scatter [tilespmem:s29], [sflag:$0x1], $0x80, v4, vm0, $0xb8;
	[tilespmem:$0xE200] =	vst v63  }
0x4d: {  	s30 =	simm.s32 $0x4000  }
0x4e: {  	[hbm4b:s6+s3] =	stream.indirect_vreg.scatter [tilespmem:s30], [sflag:$0x1], $0x80, v4, vm0, $0xb8;
	[tilespmem:$0xE200] =	vst v63  }
0x4f: {  	s1 =	simm.s32 $0x4800  }
0x50: {  	[hbm4b:s4+s3] =	stream.indirect_vreg.scatter [tilespmem:s1], [sflag:$0x1], $0x80, v3, vm0, $0xb8;
	[tilespmem:$0xE200] =	vst v63  }
0x51: {  	s8 =	simm.s32 $0x5000  }
0x52: {  	[hbm4b:s5+s3] =	stream.indirect_vreg.scatter [tilespmem:s8], [sflag:$0x1], $0x80, v3, vm0, $0xb8;
	[tilespmem:$0xE200] =	vst v63  }
0x53: {  	s13 =	simm.s32 $0x5800  }
0x54: {  	[hbm4b:s6+s3] =	stream.indirect_vreg.scatter [tilespmem:s13], [sflag:$0x1], $0x80, v3, vm0, $0xb8;
	[tilespmem:$0xE200] =	vst v63  }
0x55: {  	v3 =	vld [tilespmem:$0xE020];
	_ =	sdelay $0x4  }
0x56: {  	v50 =	vshrl.u32 v3, $0x3  }
0x57: {  	v4 =	vmul.u32 $0x30, v50  }
0x58: {  	v3 =	vand.u32 $0x7, v3  }
0x59: {  	v3 =	vor.u32 v3, v4  }
0x5a: {  	v4 =	vperm.xlane v3, v0;
	_ =	sdelay $0x1  }
0x5b: {  	v4 =	vadd.s32 v1, v4;
	_ =	sdelay $0x3  }
0x5c: {  	s15 =	simm.s32 $0x6000;
	v3 =	vperm.xlane v3, v2  }
0x5d: {  	[hbm4b:s4+s3] =	stream.indirect_vreg.scatter [tilespmem:s15], [sflag:$0x1], $0x80, v4, vm0, $0xb8;
	[tilespmem:$0xE200] =	vst v63  }
0x5e: {  	s16 =	simm.s32 $0x6800;
	v3 =	vadd.s32 v1, v3  }
0x5f: {  	[hbm4b:s5+s3] =	stream.indirect_vreg.scatter [tilespmem:s16], [sflag:$0x1], $0x80, v4, vm0, $0xb8;
	[tilespmem:$0xE200] =	vst v63  }
0x60: {  	s23 =	simm.s32 $0x7000  }
0x61: {  	[hbm4b:s6+s3] =	stream.indirect_vreg.scatter [tilespmem:s23], [sflag:$0x1], $0x80, v4, vm0, $0xb8;
	[tilespmem:$0xE200] =	vst v63  }
0x62: {  	s24 =	simm.s32 $0x7800  }
0x63: {  	[hbm4b:s4+s3] =	stream.indirect_vreg.scatter [tilespmem:s24], [sflag:$0x1], $0x80, v3, vm0, $0xb8;
	[tilespmem:$0xE200] =	vst v63  }
0x64: {  	s25 =	simm.s32 $0x8000  }
0x65: {  	[hbm4b:s5+s3] =	stream.indirect_vreg.scatter [tilespmem:s25], [sflag:$0x1], $0x80, v3, vm0, $0xb8;
	[tilespmem:$0xE200] =	vst v63  }
0x66: {  	s26 =	simm.s32 $0x8800  }
0x67: {  	[hbm4b:s6+s3] =	stream.indirect_vreg.scatter [tilespmem:s26], [sflag:$0x1], $0x80, v3, vm0, $0xb8;
	[tilespmem:$0xE200] =	vst v63  }
0x68: {  	v3 =	vld [tilespmem:$0xE030];
	_ =	sdelay $0x4  }
0x69: {  	v51 =	vshrl.u32 v3, $0x3  }
0x6a: {  	v4 =	vmul.u32 $0x30, v51  }
0x6b: {  	v3 =	vand.u32 $0x7, v3  }
0x6c: {  	v3 =	vor.u32 v3, v4  }
0x6d: {  	v4 =	vperm.xlane v3, v0;
	_ =	sdelay $0x1  }
0x6e: {  	v4 =	vadd.s32 v1, v4;
	_ =	sdelay $0x3  }
0x6f: {  	s28 =	simm.s32 $0x9000;
	v3 =	vperm.xlane v3, v2  }
0x70: {  	[hbm4b:s4+s3] =	stream.indirect_vreg.scatter [tilespmem:s28], [sflag:$0x1], $0x80, v4, vm0, $0xb8;
	[tilespmem:$0xE200] =	vst v63  }
0x71: {  	s29 =	simm.s32 $0x9800;
	v3 =	vadd.s32 v1, v3  }
0x72: {  	[hbm4b:s5+s3] =	stream.indirect_vreg.scatter [tilespmem:s29], [sflag:$0x1], $0x80, v4, vm0, $0xb8;
	[tilespmem:$0xE200] =	vst v63  }
0x73: {  	s8 =	simm.s32 $0xA000  }
0x74: {  	[hbm4b:s6+s3] =	stream.indirect_vreg.scatter [tilespmem:s8], [sflag:$0x1], $0x80, v4, vm0, $0xb8;
	[tilespmem:$0xE200] =	vst v63  }
0x75: {  	s30 =	simm.s32 $0xA800  }
0x76: {  	[hbm4b:s4+s3] =	stream.indirect_vreg.scatter [tilespmem:s30], [sflag:$0x1], $0x80, v3, vm0, $0xb8;
	[tilespmem:$0xE200] =	vst v63  }
0x77: {  	s8 =	simm.s32 $0xB000  }
0x78: {  	[hbm4b:s5+s3] =	stream.indirect_vreg.scatter [tilespmem:s8], [sflag:$0x1], $0x80, v3, vm0, $0xb8;
	[tilespmem:$0xE200] =	vst v63  }
0x79: {  	s16 =	simm.s32 $0xB800  }
0x7a: {  	[hbm4b:s6+s3] =	stream.indirect_vreg.scatter [tilespmem:s16], [sflag:$0x1], $0x80, v3, vm0, $0xb8;
	[tilespmem:$0xE200] =	vst v63  }
0x7b: {  	_ =	swait.ge [sflag:s2], $0xC000  }
0x7c: {  	[sflag:s2] =	ssyncset.done $0x0  }
0x7d: {  	[sflag:s2] =	ssyncadd.s32 $0xFFFF4000  }
0x7e: {  	s23 =	simm.s32 $0x40;
	s16 =	rddreg [dreg:$0x2]  }
0x7f: {  	[hbm4b:s16+s23] =	stream.indirect.scatter [tilespmem:s31], [sflag:$0x1], $0x80, s17, s23, $0xb8;
	[tilespmem:$0xE200] =	vst v63  }
0x80: {  	_ =	swait.ge [sflag:s2], $0x2000  }
0x81: {  	[sflag:s2] =	ssyncset.done $0x0  }
0x82: {  	s24 =	rddreg [dreg:$0xa];
	[sflag:s2] =	ssyncadd.s32 $0xFFFFE000  }
0x83: {  	[tilespmem:s3], [sflag:$0x2] =	stream.linear.gather [hbm4b:s24+s3], $0xC000, $0x38;
	[tilespmem:$0xE200] =	vst v63  }
0x84: {  	_ =	swait.ge [sflag:s9], $0xC000  }
0x85: {  	[sflag:s9] =	ssyncset.done $0x0  }
0x86: {  	s25 =	rddreg [dreg:$0xb];
	[sflag:s9] =	ssyncadd.s32 $0xFFFF4000  }
0x87: {  	[tilespmem:s31], [sflag:$0x2] =	stream.linear.gather [hbm4b:s25+s3], $0x2000, $0x38;
	[tilespmem:$0xE200] =	vst v63  }
0x88: {  	_ =	swait.ge [sflag:s9], $0x2000  }
0x89: {  	[sflag:s9] =	ssyncset.done $0x0  }
0x8a: {  	[sflag:s9] =	ssyncadd.s32 $0xFFFFE000  }
0x8b: {  	v3 =	vld [tilespmem:$0xE080];
	_ =	sdelay $0x4  }
0x8c: {  	v52 =	vshrl.u32 v3, $0x3  }
0x8d: {  	v4 =	vmul.u32 $0x30, v52  }
0x8e: {  	v3 =	vand.u32 $0x7, v3  }
0x8f: {  	v3 =	vor.u32 v3, v4  }
0x90: {  	v4 =	vperm.xlane v3, v0;
	_ =	sdelay $0x1  }
0x91: {  	v4 =	vadd.s32 v1, v4;
	_ =	sdelay $0x3  }
0x92: {  	v3 =	vperm.xlane v3, v2  }
0x93: {  	[hbm4b:s4+s3] =	stream.indirect_vreg.scatter [tilespmem:s3], [sflag:$0x1], $0x80, v4, vm0, $0xb8;
	[tilespmem:$0xE200] =	vst v63  }
0x94: {  	s10 =	simm.s32 $0x800;
	v3 =	vadd.s32 v1, v3  }
0x95: {  	[hbm4b:s5+s3] =	stream.indirect_vreg.scatter [tilespmem:s10], [sflag:$0x1], $0x80, v4, vm0, $0xb8;
	[tilespmem:$0xE200] =	vst v63  }
0x96: {  	s11 =	simm.s32 $0x1000  }
0x97: {  	[hbm4b:s6+s3] =	stream.indirect_vreg.scatter [tilespmem:s11], [sflag:$0x1], $0x80, v4, vm0, $0xb8;
	[tilespmem:$0xE200] =	vst v63  }
0x98: {  	s12 =	simm.s32 $0x1800  }
0x99: {  	[hbm4b:s4+s3] =	stream.indirect_vreg.scatter [tilespmem:s12], [sflag:$0x1], $0x80, v3, vm0, $0xb8;
	[tilespmem:$0xE200] =	vst v63  }
0x9a: {  	s14 =	simm.s32 $0x2000  }
0x9b: {  	[hbm4b:s5+s3] =	stream.indirect_vreg.scatter [tilespmem:s14], [sflag:$0x1], $0x80, v3, vm0, $0xb8;
	[tilespmem:$0xE200] =	vst v63  }
0x9c: {  	s18 =	simm.s32 $0x2800  }
0x9d: {  	[hbm4b:s6+s3] =	stream.indirect_vreg.scatter [tilespmem:s18], [sflag:$0x1], $0x80, v3, vm0, $0xb8;
	[tilespmem:$0xE200] =	vst v63  }
0x9e: {  	v3 =	vld [tilespmem:$0xE090];
	_ =	sdelay $0x4  }
0x9f: {  	v53 =	vshrl.u32 v3, $0x3  }
0xa0: {  	v4 =	vmul.u32 $0x30, v53  }
0xa1: {  	v3 =	vand.u32 $0x7, v3  }
0xa2: {  	v3 =	vor.u32 v3, v4  }
0xa3: {  	v4 =	vperm.xlane v3, v0;
	_ =	sdelay $0x1  }
0xa4: {  	v4 =	vadd.s32 v1, v4;
	_ =	sdelay $0x3  }
0xa5: {  	s19 =	simm.s32 $0x3000;
	v3 =	vperm.xlane v3, v2  }
0xa6: {  	[hbm4b:s4+s3] =	stream.indirect_vreg.scatter [tilespmem:s19], [sflag:$0x1], $0x80, v4, vm0, $0xb8;
	[tilespmem:$0xE200] =	vst v63  }
0xa7: {  	s21 =	simm.s32 $0x3800;
	v3 =	vadd.s32 v1, v3  }
0xa8: {  	[hbm4b:s5+s3] =	stream.indirect_vreg.scatter [tilespmem:s21], [sflag:$0x1], $0x80, v4, vm0, $0xb8;
	[tilespmem:$0xE200] =	vst v63  }
0xa9: {  	s22 =	simm.s32 $0x4000  }
0xaa: {  	[hbm4b:s6+s3] =	stream.indirect_vreg.scatter [tilespmem:s22], [sflag:$0x1], $0x80, v4, vm0, $0xb8;
	[tilespmem:$0xE200] =	vst v63  }
0xab: {  	s29 =	simm.s32 $0x4800  }
0xac: {  	[hbm4b:s4+s3] =	stream.indirect_vreg.scatter [tilespmem:s29], [sflag:$0x1], $0x80, v3, vm0, $0xb8;
	[tilespmem:$0xE200] =	vst v63  }
0xad: {  	s20 =	simm.s32 $0x5000  }
0xae: {  	[hbm4b:s5+s3] =	stream.indirect_vreg.scatter [tilespmem:s20], [sflag:$0x1], $0x80, v3, vm0, $0xb8;
	[tilespmem:$0xE200] =	vst v63  }
0xaf: {  	s20 =	simm.s32 $0x5800  }
0xb0: {  	[hbm4b:s6+s3] =	stream.indirect_vreg.scatter [tilespmem:s20], [sflag:$0x1], $0x80, v3, vm0, $0xb8;
	[tilespmem:$0xE200] =	vst v63  }
0xb1: {  	v3 =	vld [tilespmem:$0xE0A0];
	_ =	sdelay $0x4  }
0xb2: {  	v54 =	vshrl.u32 v3, $0x3  }
0xb3: {  	v4 =	vmul.u32 $0x30, v54  }
0xb4: {  	v3 =	vand.u32 $0x7, v3  }
0xb5: {  	v3 =	vor.u32 v3, v4  }
0xb6: {  	v4 =	vperm.xlane v3, v0;
	_ =	sdelay $0x1  }
0xb7: {  	v4 =	vadd.s32 v1, v4;
	_ =	sdelay $0x3  }
0xb8: {  	s1 =	simm.s32 $0x6000;
	v3 =	vperm.xlane v3, v2  }
0xb9: {  	[hbm4b:s4+s3] =	stream.indirect_vreg.scatter [tilespmem:s1], [sflag:$0x1], $0x80, v4, vm0, $0xb8;
	[tilespmem:$0xE200] =	vst v63  }
0xba: {  	s8 =	simm.s32 $0x6800;
	v3 =	vadd.s32 v1, v3  }
0xbb: {  	[hbm4b:s5+s3] =	stream.indirect_vreg.scatter [tilespmem:s8], [sflag:$0x1], $0x80, v4, vm0, $0xb8;
	[tilespmem:$0xE200] =	vst v63  }
0xbc: {  	s10 =	simm.s32 $0x7000  }
0xbd: {  	[hbm4b:s6+s3] =	stream.indirect_vreg.scatter [tilespmem:s10], [sflag:$0x1], $0x80, v4, vm0, $0xb8;
	[tilespmem:$0xE200] =	vst v63  }
0xbe: {  	s11 =	simm.s32 $0x7800  }
0xbf: {  	[hbm4b:s4+s3] =	stream.indirect_vreg.scatter [tilespmem:s11], [sflag:$0x1], $0x80, v3, vm0, $0xb8;
	[tilespmem:$0xE200] =	vst v63  }
0xc0: {  	s12 =	simm.s32 $0x8000  }
0xc1: {  	[hbm4b:s5+s3] =	stream.indirect_vreg.scatter [tilespmem:s12], [sflag:$0x1], $0x80, v3, vm0, $0xb8;
	[tilespmem:$0xE200] =	vst v63  }
0xc2: {  	s13 =	simm.s32 $0x8800  }
0xc3: {  	[hbm4b:s6+s3] =	stream.indirect_vreg.scatter [tilespmem:s13], [sflag:$0x1], $0x80, v3, vm0, $0xb8;
	[tilespmem:$0xE200] =	vst v63  }
0xc4: {  	v3 =	vld [tilespmem:$0xE0B0];
	_ =	sdelay $0x4  }
0xc5: {  	v55 =	vshrl.u32 v3, $0x3  }
0xc6: {  	v4 =	vmul.u32 $0x30, v55  }
0xc7: {  	v3 =	vand.u32 $0x7, v3  }
0xc8: {  	v3 =	vor.u32 v3, v4  }
0xc9: {  	v4 =	vperm.xlane v3, v0;
	_ =	sdelay $0x1  }
0xca: {  	v4 =	vadd.s32 v1, v4;
	_ =	sdelay $0x3  }
0xcb: {  	s14 =	simm.s32 $0x9000;
	v3 =	vperm.xlane v3, v2  }
0xcc: {  	[hbm4b:s4+s3] =	stream.indirect_vreg.scatter [tilespmem:s14], [sflag:$0x1], $0x80, v4, vm0, $0xb8;
	[tilespmem:$0xE200] =	vst v63  }
0xcd: {  	s0 =	simm.s32 $0x9800;
	v3 =	vadd.s32 v1, v3  }
0xce: {  	[hbm4b:s5+s3] =	stream.indirect_vreg.scatter [tilespmem:s0], [sflag:$0x1], $0x80, v4, vm0, $0xb8;
	[tilespmem:$0xE200] =	vst v63  }
0xcf: {  	s19 =	simm.s32 $0xA000  }
0xd0: {  	[hbm4b:s6+s3] =	stream.indirect_vreg.scatter [tilespmem:s19], [sflag:$0x1], $0x80, v4, vm0, $0xb8;
	[tilespmem:$0xE200] =	vst v63  }
0xd1: {  	s0 =	simm.s32 $0xA800  }
0xd2: {  	[hbm4b:s4+s3] =	stream.indirect_vreg.scatter [tilespmem:s0], [sflag:$0x1], $0x80, v3, vm0, $0xb8;
	[tilespmem:$0xE200] =	vst v63  }
0xd3: {  	s1 =	simm.s32 $0xB000  }
0xd4: {  	[hbm4b:s5+s3] =	stream.indirect_vreg.scatter [tilespmem:s1], [sflag:$0x1], $0x80, v3, vm0, $0xb8;
	[tilespmem:$0xE200] =	vst v63  }
0xd5: {  	s13 =	simm.s32 $0xB800  }
0xd6: {  	[hbm4b:s6+s3] =	stream.indirect_vreg.scatter [tilespmem:s13], [sflag:$0x1], $0x80, v3, vm0, $0xb8;
	[tilespmem:$0xE200] =	vst v63  }
0xd7: {  	_ =	swait.ge [sflag:s2], $0xC000  }
0xd8: {  	[sflag:s2] =	ssyncset.done $0x0  }
0xd9: {  	s15 =	simm.s32 $0xE080;
	s17 =	simm.s32 $0x40;
	[sflag:s2] =	ssyncadd.s32 $0xFFFF4000  }
0xda: {  	[hbm4b:s16+s17] =	stream.indirect.scatter [tilespmem:s31], [sflag:$0x1], $0x80, s15, s17, $0xb8;
	[tilespmem:$0xE200] =	vst v63  }
0xdb: {  	_ =	swait.ge [sflag:s2], $0x2000  }
0xdc: {  	[sflag:s2] =	ssyncset.done $0x0  }
0xdd: {  	s15 =	rddreg [dreg:$0xc];
	[sflag:s2] =	ssyncadd.s32 $0xFFFFE000  }
0xde: {  	[tilespmem:s3], [sflag:$0x2] =	stream.linear.gather [hbm4b:s15+s3], $0xC000, $0x38;
	[tilespmem:$0xE200] =	vst v63  }
0xdf: {  	_ =	swait.ge [sflag:s9], $0xC000  }
0xe0: {  	[sflag:s9] =	ssyncset.done $0x0  }
0xe1: {  	s15 =	rddreg [dreg:$0xd];
	[sflag:s9] =	ssyncadd.s32 $0xFFFF4000  }
0xe2: {  	[tilespmem:s31], [sflag:$0x2] =	stream.linear.gather [hbm4b:s15+s3], $0x2000, $0x38;
	[tilespmem:$0xE200] =	vst v63  }
0xe3: {  	_ =	swait.ge [sflag:s9], $0x2000  }
0xe4: {  	[sflag:s9] =	ssyncset.done $0x0  }
0xe5: {  	[sflag:s9] =	ssyncadd.s32 $0xFFFFE000  }
0xe6: {  	v3 =	vld [tilespmem:$0xE100];
	_ =	sdelay $0x4  }
0xe7: {  	v56 =	vshrl.u32 v3, $0x3  }
0xe8: {  	v4 =	vmul.u32 $0x30, v56  }
0xe9: {  	v3 =	vand.u32 $0x7, v3  }
0xea: {  	v3 =	vor.u32 v3, v4  }
0xeb: {  	v4 =	vperm.xlane v3, v0;
	_ =	sdelay $0x1  }
0xec: {  	v4 =	vadd.s32 v1, v4;
	_ =	sdelay $0x3  }
0xed: {  	v3 =	vperm.xlane v3, v2  }
0xee: {  	[hbm4b:s4+s3] =	stream.indirect_vreg.scatter [tilespmem:s3], [sflag:$0x1], $0x80, v4, vm0, $0xb8;
	[tilespmem:$0xE200] =	vst v63  }
0xef: {  	s23 =	simm.s32 $0x800;
	v3 =	vadd.s32 v1, v3  }
0xf0: {  	[hbm4b:s5+s3] =	stream.indirect_vreg.scatter [tilespmem:s23], [sflag:$0x1], $0x80, v4, vm0, $0xb8;
	[tilespmem:$0xE200] =	vst v63  }
0xf1: {  	s24 =	simm.s32 $0x1000  }
0xf2: {  	[hbm4b:s6+s3] =	stream.indirect_vreg.scatter [tilespmem:s24], [sflag:$0x1], $0x80, v4, vm0, $0xb8;
	[tilespmem:$0xE200] =	vst v63  }
0xf3: {  	s25 =	simm.s32 $0x1800  }
0xf4: {  	[hbm4b:s4+s3] =	stream.indirect_vreg.scatter [tilespmem:s25], [sflag:$0x1], $0x80, v3, vm0, $0xb8;
	[tilespmem:$0xE200] =	vst v63  }
0xf5: {  	s26 =	simm.s32 $0x2000  }
0xf6: {  	[hbm4b:s5+s3] =	stream.indirect_vreg.scatter [tilespmem:s26], [sflag:$0x1], $0x80, v3, vm0, $0xb8;
	[tilespmem:$0xE200] =	vst v63  }
0xf7: {  	s28 =	simm.s32 $0x2800  }
0xf8: {  	[hbm4b:s6+s3] =	stream.indirect_vreg.scatter [tilespmem:s28], [sflag:$0x1], $0x80, v3, vm0, $0xb8;
	[tilespmem:$0xE200] =	vst v63  }
0xf9: {  	v3 =	vld [tilespmem:$0xE110];
	_ =	sdelay $0x4  }
0xfa: {  	v57 =	vshrl.u32 v3, $0x3  }
0xfb: {  	v4 =	vmul.u32 $0x30, v57  }
0xfc: {  	v3 =	vand.u32 $0x7, v3  }
0xfd: {  	v3 =	vor.u32 v3, v4  }
0xfe: {  	v4 =	vperm.xlane v3, v0;
	_ =	sdelay $0x1  }
0xff: {  	v4 =	vadd.s32 v1, v4;
	_ =	sdelay $0x3  }
0x100: {  	s30 =	simm.s32 $0x3000;
	v3 =	vperm.xlane v3, v2  }
0x101: {  	[hbm4b:s4+s3] =	stream.indirect_vreg.scatter [tilespmem:s30], [sflag:$0x1], $0x80, v4, vm0, $0xb8;
	[tilespmem:$0xE200] =	vst v63  }
0x102: {  	s15 =	simm.s32 $0x3800;
	v3 =	vadd.s32 v1, v3  }
0x103: {  	[hbm4b:s5+s3] =	stream.indirect_vreg.scatter [tilespmem:s15], [sflag:$0x1], $0x80, v4, vm0, $0xb8;
	[tilespmem:$0xE200] =	vst v63  }
0x104: {  	s15 =	simm.s32 $0x4000  }
0x105: {  	[hbm4b:s6+s3] =	stream.indirect_vreg.scatter [tilespmem:s15], [sflag:$0x1], $0x80, v4, vm0, $0xb8;
	[tilespmem:$0xE200] =	vst v63  }
0x106: {  	_ = 	snop  }
0x107: {  	[hbm4b:s4+s3] =	stream.indirect_vreg.scatter [tilespmem:s29], [sflag:$0x1], $0x80, v3, vm0, $0xb8;
	[tilespmem:$0xE200] =	vst v63  }
0x108: {  	s15 =	simm.s32 $0x5000  }
0x109: {  	[hbm4b:s5+s3] =	stream.indirect_vreg.scatter [tilespmem:s15], [sflag:$0x1], $0x80, v3, vm0, $0xb8;
	[tilespmem:$0xE200] =	vst v63  }
0x10a: {  	_ = 	snop  }
0x10b: {  	[hbm4b:s6+s3] =	stream.indirect_vreg.scatter [tilespmem:s20], [sflag:$0x1], $0x80, v3, vm0, $0xb8;
	[tilespmem:$0xE200] =	vst v63  }
0x10c: {  	v3 =	vld [tilespmem:$0xE120];
	_ =	sdelay $0x4  }
0x10d: {  	v58 =	vshrl.u32 v3, $0x3  }
0x10e: {  	v4 =	vmul.u32 $0x30, v58  }
0x10f: {  	v3 =	vand.u32 $0x7, v3  }
0x110: {  	v3 =	vor.u32 v3, v4  }
0x111: {  	v4 =	vperm.xlane v3, v0;
	_ =	sdelay $0x1  }
0x112: {  	v4 =	vadd.s32 v1, v4;
	_ =	sdelay $0x3  }
0x113: {  	s18 =	simm.s32 $0x6000;
	v3 =	vperm.xlane v3, v2  }
0x114: {  	[hbm4b:s4+s3] =	stream.indirect_vreg.scatter [tilespmem:s18], [sflag:$0x1], $0x80, v4, vm0, $0xb8;
	[tilespmem:$0xE200] =	vst v63  }
0x115: {  	v3 =	vadd.s32 v1, v3  }
0x116: {  	[hbm4b:s5+s3] =	stream.indirect_vreg.scatter [tilespmem:s8], [sflag:$0x1], $0x80, v4, vm0, $0xb8;
	[tilespmem:$0xE200] =	vst v63  }
0x117: {  	_ = 	snop  }
0x118: {  	[hbm4b:s6+s3] =	stream.indirect_vreg.scatter [tilespmem:s10], [sflag:$0x1], $0x80, v4, vm0, $0xb8;
	[tilespmem:$0xE200] =	vst v63  }
0x119: {  	_ = 	snop  }
0x11a: {  	[hbm4b:s4+s3] =	stream.indirect_vreg.scatter [tilespmem:s11], [sflag:$0x1], $0x80, v3, vm0, $0xb8;
	[tilespmem:$0xE200] =	vst v63  }
0x11b: {  	_ = 	snop  }
0x11c: {  	[hbm4b:s5+s3] =	stream.indirect_vreg.scatter [tilespmem:s12], [sflag:$0x1], $0x80, v3, vm0, $0xb8;
	[tilespmem:$0xE200] =	vst v63  }
0x11d: {  	s22 =	simm.s32 $0x8800  }
0x11e: {  	[hbm4b:s6+s3] =	stream.indirect_vreg.scatter [tilespmem:s22], [sflag:$0x1], $0x80, v3, vm0, $0xb8;
	[tilespmem:$0xE200] =	vst v63  }
0x11f: {  	v3 =	vld [tilespmem:$0xE130];
	_ =	sdelay $0x4  }
0x120: {  	v59 =	vshrl.u32 v3, $0x3  }
0x121: {  	v4 =	vmul.u32 $0x30, v59  }
0x122: {  	v3 =	vand.u32 $0x7, v3  }
0x123: {  	v3 =	vor.u32 v3, v4  }
0x124: {  	v4 =	vperm.xlane v3, v0;
	_ =	sdelay $0x1  }
0x125: {  	v4 =	vadd.s32 v1, v4;
	_ =	sdelay $0x3  }
0x126: {  	v3 =	vperm.xlane v3, v2  }
0x127: {  	[hbm4b:s4+s3] =	stream.indirect_vreg.scatter [tilespmem:s14], [sflag:$0x1], $0x80, v4, vm0, $0xb8;
	[tilespmem:$0xE200] =	vst v63  }
0x128: {  	s21 =	simm.s32 $0x9800;
	v3 =	vadd.s32 v1, v3  }
0x129: {  	[hbm4b:s5+s3] =	stream.indirect_vreg.scatter [tilespmem:s21], [sflag:$0x1], $0x80, v4, vm0, $0xb8;
	[tilespmem:$0xE200] =	vst v63  }
0x12a: {  	_ = 	snop  }
0x12b: {  	[hbm4b:s6+s3] =	stream.indirect_vreg.scatter [tilespmem:s19], [sflag:$0x1], $0x80, v4, vm0, $0xb8;
	[tilespmem:$0xE200] =	vst v63  }
0x12c: {  	_ = 	snop  }
0x12d: {  	[hbm4b:s4+s3] =	stream.indirect_vreg.scatter [tilespmem:s0], [sflag:$0x1], $0x80, v3, vm0, $0xb8;
	[tilespmem:$0xE200] =	vst v63  }
0x12e: {  	_ = 	snop  }
0x12f: {  	[hbm4b:s5+s3] =	stream.indirect_vreg.scatter [tilespmem:s1], [sflag:$0x1], $0x80, v3, vm0, $0xb8;
	[tilespmem:$0xE200] =	vst v63  }
0x130: {  	_ = 	snop  }
0x131: {  	[hbm4b:s6+s3] =	stream.indirect_vreg.scatter [tilespmem:s13], [sflag:$0x1], $0x80, v3, vm0, $0xb8;
	[tilespmem:$0xE200] =	vst v63  }
0x132: {  	_ =	swait.ge [sflag:s2], $0xC000  }
0x133: {  	[sflag:s2] =	ssyncset.done $0x0  }
0x134: {  	s17 =	simm.s32 $0x40;
	s15 =	simm.s32 $0xE100;
	[sflag:s2] =	ssyncadd.s32 $0xFFFF4000  }
0x135: {  	[hbm4b:s16+s17] =	stream.indirect.scatter [tilespmem:s31], [sflag:$0x1], $0x80, s15, s17, $0xb8;
	[tilespmem:$0xE200] =	vst v63  }
0x136: {  	_ =	swait.ge [sflag:s2], $0x2000  }
0x137: {  	[sflag:s2] =	ssyncset.done $0x0  }
0x138: {  	s15 =	rddreg [dreg:$0xe];
	[sflag:s2] =	ssyncadd.s32 $0xFFFFE000  }
0x139: {  	[tilespmem:s3], [sflag:$0x2] =	stream.linear.gather [hbm4b:s15+s3], $0xC000, $0x38;
	[tilespmem:$0xE200] =	vst v63  }
0x13a: {  	_ =	swait.ge [sflag:s9], $0xC000  }
0x13b: {  	[sflag:s9] =	ssyncset.done $0x0  }
0x13c: {  	s15 =	rddreg [dreg:$0xf];
	[sflag:s9] =	ssyncadd.s32 $0xFFFF4000  }
0x13d: {  	[tilespmem:s31], [sflag:$0x2] =	stream.linear.gather [hbm4b:s15+s3], $0x2000, $0x38;
	[tilespmem:$0xE200] =	vst v63  }
0x13e: {  	_ =	swait.ge [sflag:s9], $0x2000  }
0x13f: {  	[sflag:s9] =	ssyncset.done $0x0  }
0x140: {  	[sflag:s9] =	ssyncadd.s32 $0xFFFFE000  }
0x141: {  	v3 =	vld [tilespmem:$0xE180];
	_ =	sdelay $0x4  }
0x142: {  	v60 =	vshrl.u32 v3, $0x3  }
0x143: {  	v4 =	vmul.u32 $0x30, v60  }
0x144: {  	v3 =	vand.u32 $0x7, v3  }
0x145: {  	v3 =	vor.u32 v3, v4  }
0x146: {  	v4 =	vperm.xlane v3, v0;
	_ =	sdelay $0x1  }
0x147: {  	v4 =	vadd.s32 v1, v4;
	_ =	sdelay $0x3  }
0x148: {  	v3 =	vperm.xlane v3, v2  }
0x149: {  	[hbm4b:s4+s3] =	stream.indirect_vreg.scatter [tilespmem:s3], [sflag:$0x1], $0x80, v4, vm0, $0xb8;
	[tilespmem:$0xE200] =	vst v63  }
0x14a: {  	s23 =	simm.s32 $0x800;
	v3 =	vadd.s32 v1, v3  }
0x14b: {  	[hbm4b:s5+s3] =	stream.indirect_vreg.scatter [tilespmem:s23], [sflag:$0x1], $0x80, v4, vm0, $0xb8;
	[tilespmem:$0xE200] =	vst v63  }
0x14c: {  	s24 =	simm.s32 $0x1000  }
0x14d: {  	[hbm4b:s6+s3] =	stream.indirect_vreg.scatter [tilespmem:s24], [sflag:$0x1], $0x80, v4, vm0, $0xb8;
	[tilespmem:$0xE200] =	vst v63  }
0x14e: {  	s25 =	simm.s32 $0x1800  }
0x14f: {  	[hbm4b:s4+s3] =	stream.indirect_vreg.scatter [tilespmem:s25], [sflag:$0x1], $0x80, v3, vm0, $0xb8;
	[tilespmem:$0xE200] =	vst v63  }
0x150: {  	s26 =	simm.s32 $0x2000  }
0x151: {  	[hbm4b:s5+s3] =	stream.indirect_vreg.scatter [tilespmem:s26], [sflag:$0x1], $0x80, v3, vm0, $0xb8;
	[tilespmem:$0xE200] =	vst v63  }
0x152: {  	s28 =	simm.s32 $0x2800  }
0x153: {  	[hbm4b:s6+s3] =	stream.indirect_vreg.scatter [tilespmem:s28], [sflag:$0x1], $0x80, v3, vm0, $0xb8;
	[tilespmem:$0xE200] =	vst v63  }
0x154: {  	v3 =	vld [tilespmem:$0xE190];
	_ =	sdelay $0x4  }
0x155: {  	v61 =	vshrl.u32 v3, $0x3  }
0x156: {  	v4 =	vmul.u32 $0x30, v61  }
0x157: {  	v3 =	vand.u32 $0x7, v3  }
0x158: {  	v3 =	vor.u32 v3, v4  }
0x159: {  	v4 =	vperm.xlane v3, v0;
	_ =	sdelay $0x1  }
0x15a: {  	v4 =	vadd.s32 v1, v4;
	_ =	sdelay $0x3  }
0x15b: {  	s30 =	simm.s32 $0x3000;
	v3 =	vperm.xlane v3, v2  }
0x15c: {  	[hbm4b:s4+s3] =	stream.indirect_vreg.scatter [tilespmem:s30], [sflag:$0x1], $0x80, v4, vm0, $0xb8;
	[tilespmem:$0xE200] =	vst v63  }
0x15d: {  	s26 =	simm.s32 $0x3800;
	v3 =	vadd.s32 v1, v3  }
0x15e: {  	[hbm4b:s5+s3] =	stream.indirect_vreg.scatter [tilespmem:s26], [sflag:$0x1], $0x80, v4, vm0, $0xb8;
	[tilespmem:$0xE200] =	vst v63  }
0x15f: {  	s28 =	simm.s32 $0x4000  }
0x160: {  	[hbm4b:s6+s3] =	stream.indirect_vreg.scatter [tilespmem:s28], [sflag:$0x1], $0x80, v4, vm0, $0xb8;
	[tilespmem:$0xE200] =	vst v63  }
0x161: {  	s29 =	simm.s32 $0x4800  }
0x162: {  	[hbm4b:s4+s3] =	stream.indirect_vreg.scatter [tilespmem:s29], [sflag:$0x1], $0x80, v3, vm0, $0xb8;
	[tilespmem:$0xE200] =	vst v63  }
0x163: {  	s29 =	simm.s32 $0x5000  }
0x164: {  	[hbm4b:s5+s3] =	stream.indirect_vreg.scatter [tilespmem:s29], [sflag:$0x1], $0x80, v3, vm0, $0xb8;
	[tilespmem:$0xE200] =	vst v63  }
0x165: {  	s20 =	simm.s32 $0x5800  }
0x166: {  	[hbm4b:s6+s3] =	stream.indirect_vreg.scatter [tilespmem:s20], [sflag:$0x1], $0x80, v3, vm0, $0xb8;
	[tilespmem:$0xE200] =	vst v63  }
0x167: {  	v3 =	vld [tilespmem:$0xE1A0];
	_ =	sdelay $0x4  }
0x168: {  	v62 =	vshrl.u32 v3, $0x3  }
0x169: {  	v4 =	vmul.u32 $0x30, v62  }
0x16a: {  	v3 =	vand.u32 $0x7, v3  }
0x16b: {  	v3 =	vor.u32 v3, v4  }
0x16c: {  	v4 =	vperm.xlane v3, v0;
	_ =	sdelay $0x1  }
0x16d: {  	v4 =	vadd.s32 v1, v4;
	_ =	sdelay $0x3  }
0x16e: {  	s18 =	simm.s32 $0x6000;
	v3 =	vperm.xlane v3, v2  }
0x16f: {  	[hbm4b:s4+s3] =	stream.indirect_vreg.scatter [tilespmem:s18], [sflag:$0x1], $0x80, v4, vm0, $0xb8;
	[tilespmem:$0xE200] =	vst v63  }
0x170: {  	s8 =	simm.s32 $0x6800;
	v3 =	vadd.s32 v1, v3  }
0x171: {  	[hbm4b:s5+s3] =	stream.indirect_vreg.scatter [tilespmem:s8], [sflag:$0x1], $0x80, v4, vm0, $0xb8;
	[tilespmem:$0xE200] =	vst v63  }
0x172: {  	s10 =	simm.s32 $0x7000  }
0x173: {  	[hbm4b:s6+s3] =	stream.indirect_vreg.scatter [tilespmem:s10], [sflag:$0x1], $0x80, v4, vm0, $0xb8;
	[tilespmem:$0xE200] =	vst v63  }
0x174: {  	s11 =	simm.s32 $0x7800  }
0x175: {  	[hbm4b:s4+s3] =	stream.indirect_vreg.scatter [tilespmem:s11], [sflag:$0x1], $0x80, v3, vm0, $0xb8;
	[tilespmem:$0xE200] =	vst v63  }
0x176: {  	s12 =	simm.s32 $0x8000  }
0x177: {  	[hbm4b:s5+s3] =	stream.indirect_vreg.scatter [tilespmem:s12], [sflag:$0x1], $0x80, v3, vm0, $0xb8;
	[tilespmem:$0xE200] =	vst v63  }
0x178: {  	s22 =	simm.s32 $0x8800  }
0x179: {  	[hbm4b:s6+s3] =	stream.indirect_vreg.scatter [tilespmem:s22], [sflag:$0x1], $0x80, v3, vm0, $0xb8;
	[tilespmem:$0xE200] =	vst v63  }
0x17a: {  	v3 =	vld [tilespmem:$0xE1B0];
	_ =	sdelay $0x4  }
0x17b: {  	v63 =	vshrl.u32 v3, $0x3  }
0x17c: {  	v4 =	vmul.u32 $0x30, v63  }
0x17d: {  	v3 =	vand.u32 $0x7, v3  }
0x17e: {  	v3 =	vor.u32 v3, v4  }
0x17f: {  	v4 =	vperm.xlane v3, v0;
	_ =	sdelay $0x1  }
0x180: {  	v4 =	vadd.s32 v1, v4;
	_ =	sdelay $0x3  }
0x181: {  	s14 =	simm.s32 $0x9000;
	v3 =	vperm.xlane v3, v2  }
0x182: {  	[hbm4b:s4+s3] =	stream.indirect_vreg.scatter [tilespmem:s14], [sflag:$0x1], $0x80, v4, vm0, $0xb8;
	[tilespmem:$0xE200] =	vst v63  }
0x183: {  	s21 =	simm.s32 $0x9800;
	v3 =	vadd.s32 v1, v3  }
0x184: {  	[hbm4b:s5+s3] =	stream.indirect_vreg.scatter [tilespmem:s21], [sflag:$0x1], $0x80, v4, vm0, $0xb8;
	[tilespmem:$0xE200] =	vst v63  }
0x185: {  	s19 =	simm.s32 $0xA000  }
0x186: {  	[hbm4b:s6+s3] =	stream.indirect_vreg.scatter [tilespmem:s19], [sflag:$0x1], $0x80, v4, vm0, $0xb8;
	[tilespmem:$0xE200] =	vst v63  }
0x187: {  	s0 =	simm.s32 $0xA800  }
0x188: {  	[hbm4b:s4+s3] =	stream.indirect_vreg.scatter [tilespmem:s0], [sflag:$0x1], $0x80, v3, vm0, $0xb8;
	[tilespmem:$0xE200] =	vst v63  }
0x189: {  	s1 =	simm.s32 $0xB000  }
0x18a: {  	[hbm4b:s5+s3] =	stream.indirect_vreg.scatter [tilespmem:s1], [sflag:$0x1], $0x80, v3, vm0, $0xb8;
	[tilespmem:$0xE200] =	vst v63  }
0x18b: {  	s13 =	simm.s32 $0xB800  }
0x18c: {  	[hbm4b:s6+s3] =	stream.indirect_vreg.scatter [tilespmem:s13], [sflag:$0x1], $0x80, v3, vm0, $0xb8;
	[tilespmem:$0xE200] =	vst v63  }
0x18d: {  	_ =	swait.ge [sflag:s2], $0xC000  }
0x18e: {  	p0 =	sne.s32 s7, $0x1;
	s17 =	simm.s32 $0x40;
	[sflag:s2] =	ssyncset.done $0x0  }
.Ltmp0:
0x18f: {  	s30 =	simm.s32 $0xE180;
	[sflag:s2] =	ssyncadd.s32 $0xFFFF4000;
	(pc) =	sbr.rel @p0 .LBB2_1-.Ltmp0, $4  }
0x190: {  	[hbm4b:s16+s17] =	stream.indirect.scatter [tilespmem:s31], [sflag:$0x1], $0x80, s30, s17, $0xb8;
	[tilespmem:$0xE200] =	vst v63  }
0x191: {  	_ =	swait.ge [sflag:s2], $0x2000  }
0x192: {  	[sflag:s2] =	ssyncset.done $0x0  }
0x193: {  	s7 =	sadd.s32 $0xFFFFFFFF, s7;
	[sflag:s2] =	ssyncadd.s32 $0xFFFFE000  }
0x194: {  	_ =	sfence.sel $0x180000  }
0x195: {  	[bflag:$0x0] =	sbarrier.arrive $0xFFFF  }
0x196: {  	_ =	strace $0x90000047  }
0x197: {  	s0 =	stileid.u32;
	[bflag:$0x2] =	sbarrier.arrive $0xFFFF  }
0x198: {  	p0 =	sne.s32 s0, $0x0;
	s0 =	rddreg [dreg:$0x3]  }
0x199: {  	s0 =	sadd.s32 @!p0 $0x100000, s0  }
0x19a: {  	[sflag:s0] =	ssyncadd.tile.s32 @!p0 $0x1;
	_ =	shalt  }
.Lfunc_end2:
_tile_overlayer_lowered:
.L_overlay_start_2:
0x19b: {  	(tag) =	ssettag $0x2  }
0x19c: {  	s0 =	rddreg [dreg:$0x0];
	s2 =	stileid.u32  }
0x19d: {  	s1 =	rddreg [dreg:$0x1];
	p0 =	sne.s32 s2, $0x0  }
0x19e: {  	s3 =	rddreg [dreg:$0x2];
	[bflag:$0x3] =	sbarrier.arrive $0xFFFF;
	s2 =	simm.s32 @!p0 $0x1C02  }
0x19f: {  	[timem:s3], [sflag:s2] =	dma.local @!p0 [hbm:s0], s1  }
0x1a0: {  	s0 =	simm.s32 @!p0 $0x2  }
0x1a1: {  	_ =	swait.ge @!p0 [sflag:s0], s1  }
0x1a2: {  	s1 =	ssub.s32 @!p0 $0x0, s1;
	[sflag:s0] =	ssyncset.done @!p0 $0x0  }
0x1a3: {  	[sflag:s0] =	ssyncadd.s32 @!p0 s1  }
0x1a4: {  	[bflag:$0x3] =	sbarrier.arrive $0xFFFF  }
0x1a5: {  	_ =	shalt  }

</sc_bundles>
